<compile_context>
chip_gen: v7x
topology: tpu7x:2x2x1
jax: 0.10.2.dev20260603
libtpu: 0.0.44.dev20260713+nightly
codegen_flags: <defaults>
</compile_context>

<pallas_src>
import functools

import jax
import jax.numpy as jnp
from jax import lax
from jax.experimental import pallas as pl
from jax.experimental.pallas import tpu as pltpu
from jax.experimental.pallas import tpu_sc as plsc

CH = 1664
SC_CPW = 15
TC_BLOCK = 4096
TAIL_BLOCK = 4096


def _tc_copy_body(src, dst):
    dst[...] = src[...]


def _tc_copy(x):
    d, n = x.shape
    spec = pl.BlockSpec((d, TC_BLOCK), lambda g: (0, g))
    return pl.pallas_call(
        _tc_copy_body,
        grid=(pl.cdiv(n, TC_BLOCK),),
        out_shape=jax.ShapeDtypeStruct(x.shape, x.dtype),
        in_specs=[spec],
        out_specs=spec,
    )(x)


def _sc_head_copy(x, head_cols, nw, nc, cpw):
    d, n = x.shape

    mesh = plsc.VectorSubcoreMesh(core_axis_name="c", subcore_axis_name="s")

    @functools.partial(
        pl.kernel,
        mesh=mesh,
        out_type=jax.ShapeDtypeStruct(x.shape, x.dtype),
        scratch_types=[
            pltpu.VMEM((d, CH), jnp.float32),
            pltpu.VMEM((d, CH), jnp.float32),
            pltpu.SemaphoreType.DMA((2,)),
            pltpu.SemaphoreType.DMA((2,)),
        ],
    )
    def sc_copy(src, dst, buf0, buf1, rsem, wsem):
        wid = lax.axis_index("s") * nc + lax.axis_index("c")
        bufs = (buf0, buf1)

        def rd(k):
            off = (wid * cpw + k) * CH
            return pltpu.make_async_copy(
                src.at[:, pl.ds(off, CH)], bufs[k % 2], rsem.at[k % 2]
            )

        def wr(k):
            off = (wid * cpw + k) * CH
            return pltpu.make_async_copy(
                bufs[k % 2], dst.at[:, pl.ds(off, CH)], wsem.at[k % 2]
            )

        rd(0).start()
        for k in range(cpw):
            if k + 1 < cpw:
                if k >= 1:
                    wr(k - 1).wait()
                rd(k + 1).start()
            rd(k).wait()
            wr(k).start()
        if cpw >= 2:
            wr(cpw - 2).wait()
        wr(cpw - 1).wait()

    return sc_copy(x)


def _tc_tail_fill(partial, src, head_cols):
    d, n = src.shape
    first_blk = head_cols // TAIL_BLOCK
    nblk = pl.cdiv(n - head_cols, TAIL_BLOCK)
    spec = pl.BlockSpec((d, TAIL_BLOCK), lambda g: (0, first_blk + g))

    def body(_alias, src_blk, out_blk):
        out_blk[...] = src_blk[...]

    return pl.pallas_call(
        body,
        grid=(nblk,),
        out_shape=jax.ShapeDtypeStruct(src.shape, src.dtype),
        in_specs=[pl.BlockSpec(memory_space=pl.ANY), spec],
        out_specs=spec,
        input_output_aliases={0: 0},
    )(partial, src)


def kernel(user_emb, item_emb):
    ut = user_emb.T
    it = item_emb.T
    d, n = ut.shape

    info = plsc.get_sparse_core_info()
    nw = info.num_cores * info.num_subcores
    nc = info.num_cores
    head_cols = SC_CPW * nw * CH
    assert head_cols % TAIL_BLOCK == 0 and head_cols < n

    out_ut = _tc_copy(ut)
    it_head = _sc_head_copy(it, head_cols, nw, nc, SC_CPW)
    out_it = _tc_tail_fill(it_head, it, head_cols)
    return out_ut.T, out_it.T

# --- scband reference (transcript-rebuilt; emitter-appended) ---
"""Pipeline reference for scband-bprmf-34497177321690 (READ-ONLY COPY).

The authoritative reference and input builder live on the scoring server;
editing this copy changes nothing except your own understanding.
"""

import jax, jax.numpy as jnp
import numpy as np

N_USERS = 1000000
N_ITEMS = 1000000
EMB_SIZE = 32

def _xavier_uniform(key, shape):
    fan_in, fan_out = shape[1], shape[0]
    limit = float(np.sqrt(6.0 / (fan_in + fan_out)))
    return jax.random.uniform(key, shape, dtype=jnp.float32, minval=-limit, maxval=limit)

def setup_inputs(seed: int = 0) -> dict:
    key = jax.random.key(seed)
    k_u, k_i = jax.random.split(key)
    user_emb = _xavier_uniform(k_u, (N_USERS, EMB_SIZE))
    item_emb = _xavier_uniform(k_i, (N_ITEMS, EMB_SIZE))
    return {"user_emb": user_emb, "item_emb": item_emb}

def reference(user_emb, item_emb):
    # BPRMF.forward: returns the full user and item embedding weight matrices.
    return (user_emb, item_emb)

if __name__ == "__main__":
    import jax
    _d = setup_inputs()
    print(jax.jit(kernel)(*tuple(_d.values())))

</pallas_src>

<mosaic_0001>
#map = affine_map<(d0, d1) -> (0, 0)>
module attributes {stable_mosaic.version = 14 : i64} {
  func.func @sc_copy(%arg0: i32, %arg1: i32, %arg2: memref<32x1000000xf32, #tpu.memory_space<hbm>>, %arg3: memref<32x1000000xf32, #tpu.memory_space<hbm>>, %arg4: memref<32x1664xf32, #tpu.memory_space<vmem>>, %arg5: memref<32x1664xf32, #tpu.memory_space<vmem>>, %arg6: memref<2x!tpu.dma_semaphore, #tpu.memory_space<semaphore_mem>>, %arg7: memref<2x!tpu.dma_semaphore, #tpu.memory_space<semaphore_mem>>) attributes {dimension_semantics = [#tpu.dimension_semantics<core_parallel>, #tpu.dimension_semantics<subcore_parallel>], iteration_bounds = array<i64: 2, 16>, scalar_prefetch = 0 : i64, scratch_operands = 4 : i64, tpu.core_type = #tpu.core_type<sc_vector_subcore>, window_params = [{transform_indices = #map}, {transform_indices = #map}]} {
    %mul3A = arith.constant 2 : i32
    %mul3A_0 = arith.muli %arg1, %mul3A : i32
    %add3A = arith.addi %mul3A_0, %arg0 : i32
    %mul3A_1 = arith.constant 15 : i32
    %mul3A_2 = arith.muli %add3A, %mul3A_1 : i32
    %add3A_3 = arith.constant 0 : i32
    %add3A_4 = arith.addi %mul3A_2, %add3A_3 : i32
    %mul3A_5 = arith.constant 1664 : i32
    %mul3A_6 = arith.muli %add3A_4, %mul3A_5 : i32
    %dma_start3A = arith.constant 0 : i32
    %dma_start3A_7 = arith.constant 0 : i32
    %dma_start3A_8 = tpu.memref_slice %arg2[%dma_start3A_7, %mul3A_6] : memref<32x1000000xf32, #tpu.memory_space<hbm>> -> memref<32x1664xf32, #tpu.memory_space<hbm>>
    %dma_start3A_9 = tpu.memref_slice %arg6[%dma_start3A] : memref<2x!tpu.dma_semaphore, #tpu.memory_space<semaphore_mem>> -> memref<1x!tpu.dma_semaphore, #tpu.memory_space<semaphore_mem>>
    %dma_start3A_10 = tpu.memref_squeeze %dma_start3A_9 : memref<1x!tpu.dma_semaphore, #tpu.memory_space<semaphore_mem>> -> memref<!tpu.dma_semaphore, #tpu.memory_space<semaphore_mem>>
    %dma_start3A_11 = arith.constant 0 : i32
    %dma_start3A_12 = tpu.memref_slice %arg2[%dma_start3A_11, %mul3A_6] : memref<32x1000000xf32, #tpu.memory_space<hbm>> -> memref<32x1664xf32, #tpu.memory_space<hbm>>
    tpu.enqueue_dma source(%dma_start3A_12 : memref<32x1664xf32, #tpu.memory_space<hbm>>) target(%arg4 : memref<32x1664xf32, #tpu.memory_space<vmem>>) target_semaphore(%dma_start3A_10 : memref<!tpu.dma_semaphore, #tpu.memory_space<semaphore_mem>>)
    %mul3A_13 = arith.constant 15 : i32
    %mul3A_14 = arith.muli %add3A, %mul3A_13 : i32
    %add3A_15 = arith.constant 1 : i32
    %add3A_16 = arith.addi %mul3A_14, %add3A_15 : i32
    %mul3A_17 = arith.constant 1664 : i32
    %mul3A_18 = arith.muli %add3A_16, %mul3A_17 : i32
    %dma_start3A_19 = arith.constant 1 : i32
    %dma_start3A_20 = arith.constant 0 : i32
    %dma_start3A_21 = tpu.memref_slice %arg2[%dma_start3A_20, %mul3A_18] : memref<32x1000000xf32, #tpu.memory_space<hbm>> -> memref<32x1664xf32, #tpu.memory_space<hbm>>
    %dma_start3A_22 = tpu.memref_slice %arg6[%dma_start3A_19] : memref<2x!tpu.dma_semaphore, #tpu.memory_space<semaphore_mem>> -> memref<1x!tpu.dma_semaphore, #tpu.memory_space<semaphore_mem>>
    %dma_start3A_23 = tpu.memref_squeeze %dma_start3A_22 : memref<1x!tpu.dma_semaphore, #tpu.memory_space<semaphore_mem>> -> memref<!tpu.dma_semaphore, #tpu.memory_space<semaphore_mem>>
    %dma_start3A_24 = arith.constant 0 : i32
    %dma_start3A_25 = tpu.memref_slice %arg2[%dma_start3A_24, %mul3A_18] : memref<32x1000000xf32, #tpu.memory_space<hbm>> -> memref<32x1664xf32, #tpu.memory_space<hbm>>
    tpu.enqueue_dma source(%dma_start3A_25 : memref<32x1664xf32, #tpu.memory_space<hbm>>) target(%arg5 : memref<32x1664xf32, #tpu.memory_space<vmem>>) target_semaphore(%dma_start3A_23 : memref<!tpu.dma_semaphore, #tpu.memory_space<semaphore_mem>>)
    %mul3A_26 = arith.constant 15 : i32
    %mul3A_27 = arith.muli %add3A, %mul3A_26 : i32
    %add3A_28 = arith.constant 0 : i32
    %add3A_29 = arith.addi %mul3A_27, %add3A_28 : i32
    %mul3A_30 = arith.constant 1664 : i32
    %mul3A_31 = arith.muli %add3A_29, %mul3A_30 : i32
    %dma_wait3A = arith.constant 0 : i32
    %dma_wait3A_32 = arith.constant 0 : i32
    %dma_wait3A_33 = tpu.memref_slice %arg2[%dma_wait3A_32, %mul3A_31] : memref<32x1000000xf32, #tpu.memory_space<hbm>> -> memref<32x1664xf32, #tpu.memory_space<hbm>>
    %dma_wait3A_34 = tpu.memref_slice %arg6[%dma_wait3A] : memref<2x!tpu.dma_semaphore, #tpu.memory_space<semaphore_mem>> -> memref<1x!tpu.dma_semaphore, #tpu.memory_space<semaphore_mem>>
    %dma_wait3A_35 = tpu.memref_squeeze %dma_wait3A_34 : memref<1x!tpu.dma_semaphore, #tpu.memory_space<semaphore_mem>> -> memref<!tpu.dma_semaphore, #tpu.memory_space<semaphore_mem>>
    %dma_wait3A_36 = arith.constant 0 : i32
    %dma_wait3A_37 = tpu.memref_slice %arg2[%dma_wait3A_36, %mul3A_31] : memref<32x1000000xf32, #tpu.memory_space<hbm>> -> memref<32x1664xf32, #tpu.memory_space<hbm>>
    tpu.wait_dma2 semaphore(%dma_wait3A_35 : memref<!tpu.dma_semaphore, #tpu.memory_space<semaphore_mem>>) src(%dma_wait3A_37 : memref<32x1664xf32, #tpu.memory_space<hbm>>) dst(%arg4 : memref<32x1664xf32, #tpu.memory_space<vmem>>)
    %mul3A_38 = arith.constant 15 : i32
    %mul3A_39 = arith.muli %add3A, %mul3A_38 : i32
    %add3A_40 = arith.constant 0 : i32
    %add3A_41 = arith.addi %mul3A_39, %add3A_40 : i32
    %mul3A_42 = arith.constant 1664 : i32
    %mul3A_43 = arith.muli %add3A_41, %mul3A_42 : i32
    %dma_start3A_44 = arith.constant 0 : i32
    %dma_start3A_45 = arith.constant 0 : i32
    %dma_start3A_46 = tpu.memref_slice %arg3[%dma_start3A_45, %mul3A_43] : memref<32x1000000xf32, #tpu.memory_space<hbm>> -> memref<32x1664xf32, #tpu.memory_space<hbm>>
    %dma_start3A_47 = tpu.memref_slice %arg7[%dma_start3A_44] : memref<2x!tpu.dma_semaphore, #tpu.memory_space<semaphore_mem>> -> memref<1x!tpu.dma_semaphore, #tpu.memory_space<semaphore_mem>>
    %dma_start3A_48 = tpu.memref_squeeze %dma_start3A_47 : memref<1x!tpu.dma_semaphore, #tpu.memory_space<semaphore_mem>> -> memref<!tpu.dma_semaphore, #tpu.memory_space<semaphore_mem>>
    %dma_start3A_49 = arith.constant 0 : i32
    %dma_start3A_50 = tpu.memref_slice %arg3[%dma_start3A_49, %mul3A_43] : memref<32x1000000xf32, #tpu.memory_space<hbm>> -> memref<32x1664xf32, #tpu.memory_space<hbm>>
    tpu.enqueue_dma source(%arg4 : memref<32x1664xf32, #tpu.memory_space<vmem>>) target(%dma_start3A_50 : memref<32x1664xf32, #tpu.memory_space<hbm>>) target_semaphore(%dma_start3A_48 : memref<!tpu.dma_semaphore, #tpu.memory_space<semaphore_mem>>)
    %mul3A_51 = arith.constant 15 : i32
    %mul3A_52 = arith.muli %add3A, %mul3A_51 : i32
    %add3A_53 = arith.constant 0 : i32
    %add3A_54 = arith.addi %mul3A_52, %add3A_53 : i32
    %mul3A_55 = arith.constant 1664 : i32
    %mul3A_56 = arith.muli %add3A_54, %mul3A_55 : i32
    %dma_wait3A_57 = arith.constant 0 : i32
    %dma_wait3A_58 = arith.constant 0 : i32
    %dma_wait3A_59 = tpu.memref_slice %arg3[%dma_wait3A_58, %mul3A_56] : memref<32x1000000xf32, #tpu.memory_space<hbm>> -> memref<32x1664xf32, #tpu.memory_space<hbm>>
    %dma_wait3A_60 = tpu.memref_slice %arg7[%dma_wait3A_57] : memref<2x!tpu.dma_semaphore, #tpu.memory_space<semaphore_mem>> -> memref<1x!tpu.dma_semaphore, #tpu.memory_space<semaphore_mem>>
    %dma_wait3A_61 = tpu.memref_squeeze %dma_wait3A_60 : memref<1x!tpu.dma_semaphore, #tpu.memory_space<semaphore_mem>> -> memref<!tpu.dma_semaphore, #tpu.memory_space<semaphore_mem>>
    %dma_wait3A_62 = arith.constant 0 : i32
    %dma_wait3A_63 = tpu.memref_slice %arg3[%dma_wait3A_62, %mul3A_56] : memref<32x1000000xf32, #tpu.memory_space<hbm>> -> memref<32x1664xf32, #tpu.memory_space<hbm>>
    tpu.wait_dma2 semaphore(%dma_wait3A_61 : memref<!tpu.dma_semaphore, #tpu.memory_space<semaphore_mem>>) src(%arg4 : memref<32x1664xf32, #tpu.memory_space<vmem>>) dst(%dma_wait3A_63 : memref<32x1664xf32, #tpu.memory_space<hbm>>)
    %mul3A_64 = arith.constant 15 : i32
    %mul3A_65 = arith.muli %add3A, %mul3A_64 : i32
    %add3A_66 = arith.constant 2 : i32
    %add3A_67 = arith.addi %mul3A_65, %add3A_66 : i32
    %mul3A_68 = arith.constant 1664 : i32
    %mul3A_69 = arith.muli %add3A_67, %mul3A_68 : i32
    %dma_start3A_70 = arith.constant 0 : i32
    %dma_start3A_71 = arith.constant 0 : i32
    %dma_start3A_72 = tpu.memref_slice %arg2[%dma_start3A_71, %mul3A_69] : memref<32x1000000xf32, #tpu.memory_space<hbm>> -> memref<32x1664xf32, #tpu.memory_space<hbm>>
    %dma_start3A_73 = tpu.memref_slice %arg6[%dma_start3A_70] : memref<2x!tpu.dma_semaphore, #tpu.memory_space<semaphore_mem>> -> memref<1x!tpu.dma_semaphore, #tpu.memory_space<semaphore_mem>>
    %dma_start3A_74 = tpu.memref_squeeze %dma_start3A_73 : memref<1x!tpu.dma_semaphore, #tpu.memory_space<semaphore_mem>> -> memref<!tpu.dma_semaphore, #tpu.memory_space<semaphore_mem>>
    %dma_start3A_75 = arith.constant 0 : i32
    %dma_start3A_76 = tpu.memref_slice %arg2[%dma_start3A_75, %mul3A_69] : memref<32x1000000xf32, #tpu.memory_space<hbm>> -> memref<32x1664xf32, #tpu.memory_space<hbm>>
    tpu.enqueue_dma source(%dma_start3A_76 : memref<32x1664xf32, #tpu.memory_space<hbm>>) target(%arg4 : memref<32x1664xf32, #tpu.memory_space<vmem>>) target_semaphore(%dma_start3A_74 : memref<!tpu.dma_semaphore, #tpu.memory_space<semaphore_mem>>)
    %mul3A_77 = arith.constant 15 : i32
    %mul3A_78 = arith.muli %add3A, %mul3A_77 : i32
    %add3A_79 = arith.constant 1 : i32
    %add3A_80 = arith.addi %mul3A_78, %add3A_79 : i32
    %mul3A_81 = arith.constant 1664 : i32
    %mul3A_82 = arith.muli %add3A_80, %mul3A_81 : i32
    %dma_wait3A_83 = arith.constant 1 : i32
    %dma_wait3A_84 = arith.constant 0 : i32
    %dma_wait3A_85 = tpu.memref_slice %arg2[%dma_wait3A_84, %mul3A_82] : memref<32x1000000xf32, #tpu.memory_space<hbm>> -> memref<32x1664xf32, #tpu.memory_space<hbm>>
    %dma_wait3A_86 = tpu.memref_slice %arg6[%dma_wait3A_83] : memref<2x!tpu.dma_semaphore, #tpu.memory_space<semaphore_mem>> -> memref<1x!tpu.dma_semaphore, #tpu.memory_space<semaphore_mem>>
    %dma_wait3A_87 = tpu.memref_squeeze %dma_wait3A_86 : memref<1x!tpu.dma_semaphore, #tpu.memory_space<semaphore_mem>> -> memref<!tpu.dma_semaphore, #tpu.memory_space<semaphore_mem>>
    %dma_wait3A_88 = arith.constant 0 : i32
    %dma_wait3A_89 = tpu.memref_slice %arg2[%dma_wait3A_88, %mul3A_82] : memref<32x1000000xf32, #tpu.memory_space<hbm>> -> memref<32x1664xf32, #tpu.memory_space<hbm>>
    tpu.wait_dma2 semaphore(%dma_wait3A_87 : memref<!tpu.dma_semaphore, #tpu.memory_space<semaphore_mem>>) src(%dma_wait3A_89 : memref<32x1664xf32, #tpu.memory_space<hbm>>) dst(%arg5 : memref<32x1664xf32, #tpu.memory_space<vmem>>)
    %mul3A_90 = arith.constant 15 : i32
    %mul3A_91 = arith.muli %add3A, %mul3A_90 : i32
    %add3A_92 = arith.constant 1 : i32
    %add3A_93 = arith.addi %mul3A_91, %add3A_92 : i32
    %mul3A_94 = arith.constant 1664 : i32
    %mul3A_95 = arith.muli %add3A_93, %mul3A_94 : i32
    %dma_start3A_96 = arith.constant 1 : i32
    %dma_start3A_97 = arith.constant 0 : i32
    %dma_start3A_98 = tpu.memref_slice %arg3[%dma_start3A_97, %mul3A_95] : memref<32x1000000xf32, #tpu.memory_space<hbm>> -> memref<32x1664xf32, #tpu.memory_space<hbm>>
    %dma_start3A_99 = tpu.memref_slice %arg7[%dma_start3A_96] : memref<2x!tpu.dma_semaphore, #tpu.memory_space<semaphore_mem>> -> memref<1x!tpu.dma_semaphore, #tpu.memory_space<semaphore_mem>>
    %dma_start3A_100 = tpu.memref_squeeze %dma_start3A_99 : memref<1x!tpu.dma_semaphore, #tpu.memory_space<semaphore_mem>> -> memref<!tpu.dma_semaphore, #tpu.memory_space<semaphore_mem>>
    %dma_start3A_101 = arith.constant 0 : i32
    %dma_start3A_102 = tpu.memref_slice %arg3[%dma_start3A_101, %mul3A_95] : memref<32x1000000xf32, #tpu.memory_space<hbm>> -> memref<32x1664xf32, #tpu.memory_space<hbm>>
    tpu.enqueue_dma source(%arg5 : memref<32x1664xf32, #tpu.memory_space<vmem>>) target(%dma_start3A_102 : memref<32x1664xf32, #tpu.memory_space<hbm>>) target_semaphore(%dma_start3A_100 : memref<!tpu.dma_semaphore, #tpu.memory_space<semaphore_mem>>)
    %mul3A_103 = arith.constant 15 : i32
    %mul3A_104 = arith.muli %add3A, %mul3A_103 : i32
    %add3A_105 = arith.constant 1 : i32
    %add3A_106 = arith.addi %mul3A_104, %add3A_105 : i32
    %mul3A_107 = arith.constant 1664 : i32
    %mul3A_108 = arith.muli %add3A_106, %mul3A_107 : i32
    %dma_wait3A_109 = arith.constant 1 : i32
    %dma_wait3A_110 = arith.constant 0 : i32
    %dma_wait3A_111 = tpu.memref_slice %arg3[%dma_wait3A_110, %mul3A_108] : memref<32x1000000xf32, #tpu.memory_space<hbm>> -> memref<32x1664xf32, #tpu.memory_space<hbm>>
    %dma_wait3A_112 = tpu.memref_slice %arg7[%dma_wait3A_109] : memref<2x!tpu.dma_semaphore, #tpu.memory_space<semaphore_mem>> -> memref<1x!tpu.dma_semaphore, #tpu.memory_space<semaphore_mem>>
    %dma_wait3A_113 = tpu.memref_squeeze %dma_wait3A_112 : memref<1x!tpu.dma_semaphore, #tpu.memory_space<semaphore_mem>> -> memref<!tpu.dma_semaphore, #tpu.memory_space<semaphore_mem>>
    %dma_wait3A_114 = arith.constant 0 : i32
    %dma_wait3A_115 = tpu.memref_slice %arg3[%dma_wait3A_114, %mul3A_108] : memref<32x1000000xf32, #tpu.memory_space<hbm>> -> memref<32x1664xf32, #tpu.memory_space<hbm>>
    tpu.wait_dma2 semaphore(%dma_wait3A_113 : memref<!tpu.dma_semaphore, #tpu.memory_space<semaphore_mem>>) src(%arg5 : memref<32x1664xf32, #tpu.memory_space<vmem>>) dst(%dma_wait3A_115 : memref<32x1664xf32, #tpu.memory_space<hbm>>)
    %mul3A_116 = arith.constant 15 : i32
    %mul3A_117 = arith.muli %add3A, %mul3A_116 : i32
    %add3A_118 = arith.constant 3 : i32
    %add3A_119 = arith.addi %mul3A_117, %add3A_118 : i32
    %mul3A_120 = arith.constant 1664 : i32
    %mul3A_121 = arith.muli %add3A_119, %mul3A_120 : i32
    %dma_start3A_122 = arith.constant 1 : i32
    %dma_start3A_123 = arith.constant 0 : i32
    %dma_start3A_124 = tpu.memref_slice %arg2[%dma_start3A_123, %mul3A_121] : memref<32x1000000xf32, #tpu.memory_space<hbm>> -> memref<32x1664xf32, #tpu.memory_space<hbm>>
    %dma_start3A_125 = tpu.memref_slice %arg6[%dma_start3A_122] : memref<2x!tpu.dma_semaphore, #tpu.memory_space<semaphore_mem>> -> memref<1x!tpu.dma_semaphore, #tpu.memory_space<semaphore_mem>>
    %dma_start3A_126 = tpu.memref_squeeze %dma_start3A_125 : memref<1x!tpu.dma_semaphore, #tpu.memory_space<semaphore_mem>> -> memref<!tpu.dma_semaphore, #tpu.memory_space<semaphore_mem>>
    %dma_start3A_127 = arith.constant 0 : i32
    %dma_start3A_128 = tpu.memref_slice %arg2[%dma_start3A_127, %mul3A_121] : memref<32x1000000xf32, #tpu.memory_space<hbm>> -> memref<32x1664xf32, #tpu.memory_space<hbm>>
    tpu.enqueue_dma source(%dma_start3A_128 : memref<32x1664xf32, #tpu.memory_space<hbm>>) target(%arg5 : memref<32x1664xf32, #tpu.memory_space<vmem>>) target_semaphore(%dma_start3A_126 : memref<!tpu.dma_semaphore, #tpu.memory_space<semaphore_mem>>)
    %mul3A_129 = arith.constant 15 : i32
    %mul3A_130 = arith.muli %add3A, %mul3A_129 : i32
    %add3A_131 = arith.constant 2 : i32
    %add3A_132 = arith.addi %mul3A_130, %add3A_131 : i32
    %mul3A_133 = arith.constant 1664 : i32
    %mul3A_134 = arith.muli %add3A_132, %mul3A_133 : i32
    %dma_wait3A_135 = arith.constant 0 : i32
    %dma_wait3A_136 = arith.constant 0 : i32
    %dma_wait3A_137 = tpu.memref_slice %arg2[%dma_wait3A_136, %mul3A_134] : memref<32x1000000xf32, #tpu.memory_space<hbm>> -> memref<32x1664xf32, #tpu.memory_space<hbm>>
    %dma_wait3A_138 = tpu.memref_slice %arg6[%dma_wait3A_135] : memref<2x!tpu.dma_semaphore, #tpu.memory_space<semaphore_mem>> -> memref<1x!tpu.dma_semaphore, #tpu.memory_space<semaphore_mem>>
    %dma_wait3A_139 = tpu.memref_squeeze %dma_wait3A_138 : memref<1x!tpu.dma_semaphore, #tpu.memory_space<semaphore_mem>> -> memref<!tpu.dma_semaphore, #tpu.memory_space<semaphore_mem>>
    %dma_wait3A_140 = arith.constant 0 : i32
    %dma_wait3A_141 = tpu.memref_slice %arg2[%dma_wait3A_140, %mul3A_134] : memref<32x1000000xf32, #tpu.memory_space<hbm>> -> memref<32x1664xf32, #tpu.memory_space<hbm>>
    tpu.wait_dma2 semaphore(%dma_wait3A_139 : memref<!tpu.dma_semaphore, #tpu.memory_space<semaphore_mem>>) src(%dma_wait3A_141 : memref<32x1664xf32, #tpu.memory_space<hbm>>) dst(%arg4 : memref<32x1664xf32, #tpu.memory_space<vmem>>)
    %mul3A_142 = arith.constant 15 : i32
    %mul3A_143 = arith.muli %add3A, %mul3A_142 : i32
    %add3A_144 = arith.constant 2 : i32
    %add3A_145 = arith.addi %mul3A_143, %add3A_144 : i32
    %mul3A_146 = arith.constant 1664 : i32
    %mul3A_147 = arith.muli %add3A_145, %mul3A_146 : i32
    %dma_start3A_148 = arith.constant 0 : i32
    %dma_start3A_149 = arith.constant 0 : i32
    %dma_start3A_150 = tpu.memref_slice %arg3[%dma_start3A_149, %mul3A_147] : memref<32x1000000xf32, #tpu.memory_space<hbm>> -> memref<32x1664xf32, #tpu.memory_space<hbm>>
    %dma_start3A_151 = tpu.memref_slice %arg7[%dma_start3A_148] : memref<2x!tpu.dma_semaphore, #tpu.memory_space<semaphore_mem>> -> memref<1x!tpu.dma_semaphore, #tpu.memory_space<semaphore_mem>>
    %dma_start3A_152 = tpu.memref_squeeze %dma_start3A_151 : memref<1x!tpu.dma_semaphore, #tpu.memory_space<semaphore_mem>> -> memref<!tpu.dma_semaphore, #tpu.memory_space<semaphore_mem>>
    %dma_start3A_153 = arith.constant 0 : i32
    %dma_start3A_154 = tpu.memref_slice %arg3[%dma_start3A_153, %mul3A_147] : memref<32x1000000xf32, #tpu.memory_space<hbm>> -> memref<32x1664xf32, #tpu.memory_space<hbm>>
    tpu.enqueue_dma source(%arg4 : memref<32x1664xf32, #tpu.memory_space<vmem>>) target(%dma_start3A_154 : memref<32x1664xf32, #tpu.memory_space<hbm>>) target_semaphore(%dma_start3A_152 : memref<!tpu.dma_semaphore, #tpu.memory_space<semaphore_mem>>)
    %mul3A_155 = arith.constant 15 : i32
    %mul3A_156 = arith.muli %add3A, %mul3A_155 : i32
    %add3A_157 = arith.constant 2 : i32
    %add3A_158 = arith.addi %mul3A_156, %add3A_157 : i32
    %mul3A_159 = arith.constant 1664 : i32
    %mul3A_160 = arith.muli %add3A_158, %mul3A_159 : i32
    %dma_wait3A_161 = arith.constant 0 : i32
    %dma_wait3A_162 = arith.constant 0 : i32
    %dma_wait3A_163 = tpu.memref_slice %arg3[%dma_wait3A_162, %mul3A_160] : memref<32x1000000xf32, #tpu.memory_space<hbm>> -> memref<32x1664xf32, #tpu.memory_space<hbm>>
    %dma_wait3A_164 = tpu.memref_slice %arg7[%dma_wait3A_161] : memref<2x!tpu.dma_semaphore, #tpu.memory_space<semaphore_mem>> -> memref<1x!tpu.dma_semaphore, #tpu.memory_space<semaphore_mem>>
    %dma_wait3A_165 = tpu.memref_squeeze %dma_wait3A_164 : memref<1x!tpu.dma_semaphore, #tpu.memory_space<semaphore_mem>> -> memref<!tpu.dma_semaphore, #tpu.memory_space<semaphore_mem>>
    %dma_wait3A_166 = arith.constant 0 : i32
    %dma_wait3A_167 = tpu.memref_slice %arg3[%dma_wait3A_166, %mul3A_160] : memref<32x1000000xf32, #tpu.memory_space<hbm>> -> memref<32x1664xf32, #tpu.memory_space<hbm>>
    tpu.wait_dma2 semaphore(%dma_wait3A_165 : memref<!tpu.dma_semaphore, #tpu.memory_space<semaphore_mem>>) src(%arg4 : memref<32x1664xf32, #tpu.memory_space<vmem>>) dst(%dma_wait3A_167 : memref<32x1664xf32, #tpu.memory_space<hbm>>)
    %mul3A_168 = arith.constant 15 : i32
    %mul3A_169 = arith.muli %add3A, %mul3A_168 : i32
    %add3A_170 = arith.constant 4 : i32
    %add3A_171 = arith.addi %mul3A_169, %add3A_170 : i32
    %mul3A_172 = arith.constant 1664 : i32
    %mul3A_173 = arith.muli %add3A_171, %mul3A_172 : i32
    %dma_start3A_174 = arith.constant 0 : i32
    %dma_start3A_175 = arith.constant 0 : i32
    %dma_start3A_176 = tpu.memref_slice %arg2[%dma_start3A_175, %mul3A_173] : memref<32x1000000xf32, #tpu.memory_space<hbm>> -> memref<32x1664xf32, #tpu.memory_space<hbm>>
    %dma_start3A_177 = tpu.memref_slice %arg6[%dma_start3A_174] : memref<2x!tpu.dma_semaphore, #tpu.memory_space<semaphore_mem>> -> memref<1x!tpu.dma_semaphore, #tpu.memory_space<semaphore_mem>>
    %dma_start3A_178 = tpu.memref_squeeze %dma_start3A_177 : memref<1x!tpu.dma_semaphore, #tpu.memory_space<semaphore_mem>> -> memref<!tpu.dma_semaphore, #tpu.memory_space<semaphore_mem>>
    %dma_start3A_179 = arith.constant 0 : i32
    %dma_start3A_180 = tpu.memref_slice %arg2[%dma_start3A_179, %mul3A_173] : memref<32x1000000xf32, #tpu.memory_space<hbm>> -> memref<32x1664xf32, #tpu.memory_space<hbm>>
    tpu.enqueue_dma source(%dma_start3A_180 : memref<32x1664xf32, #tpu.memory_space<hbm>>) target(%arg4 : memref<32x1664xf32, #tpu.memory_space<vmem>>) target_semaphore(%dma_start3A_178 : memref<!tpu.dma_semaphore, #tpu.memory_space<semaphore_mem>>)
    %mul3A_181 = arith.constant 15 : i32
    %mul3A_182 = arith.muli %add3A, %mul3A_181 : i32
    %add3A_183 = arith.constant 3 : i32
    %add3A_184 = arith.addi %mul3A_182, %add3A_183 : i32
    %mul3A_185 = arith.constant 1664 : i32
    %mul3A_186 = arith.muli %add3A_184, %mul3A_185 : i32
    %dma_wait3A_187 = arith.constant 1 : i32
    %dma_wait3A_188 = arith.constant 0 : i32
    %dma_wait3A_189 = tpu.memref_slice %arg2[%dma_wait3A_188, %mul3A_186] : memref<32x1000000xf32, #tpu.memory_space<hbm>> -> memref<32x1664xf32, #tpu.memory_space<hbm>>
    %dma_wait3A_190 = tpu.memref_slice %arg6[%dma_wait3A_187] : memref<2x!tpu.dma_semaphore, #tpu.memory_space<semaphore_mem>> -> memref<1x!tpu.dma_semaphore, #tpu.memory_space<semaphore_mem>>
    %dma_wait3A_191 = tpu.memref_squeeze %dma_wait3A_190 : memref<1x!tpu.dma_semaphore, #tpu.memory_space<semaphore_mem>> -> memref<!tpu.dma_semaphore, #tpu.memory_space<semaphore_mem>>
    %dma_wait3A_192 = arith.constant 0 : i32
    %dma_wait3A_193 = tpu.memref_slice %arg2[%dma_wait3A_192, %mul3A_186] : memref<32x1000000xf32, #tpu.memory_space<hbm>> -> memref<32x1664xf32, #tpu.memory_space<hbm>>
    tpu.wait_dma2 semaphore(%dma_wait3A_191 : memref<!tpu.dma_semaphore, #tpu.memory_space<semaphore_mem>>) src(%dma_wait3A_193 : memref<32x1664xf32, #tpu.memory_space<hbm>>) dst(%arg5 : memref<32x1664xf32, #tpu.memory_space<vmem>>)
    %mul3A_194 = arith.constant 15 : i32
    %mul3A_195 = arith.muli %add3A, %mul3A_194 : i32
    %add3A_196 = arith.constant 3 : i32
    %add3A_197 = arith.addi %mul3A_195, %add3A_196 : i32
    %mul3A_198 = arith.constant 1664 : i32
    %mul3A_199 = arith.muli %add3A_197, %mul3A_198 : i32
    %dma_start3A_200 = arith.constant 1 : i32
    %dma_start3A_201 = arith.constant 0 : i32
    %dma_start3A_202 = tpu.memref_slice %arg3[%dma_start3A_201, %mul3A_199] : memref<32x1000000xf32, #tpu.memory_space<hbm>> -> memref<32x1664xf32, #tpu.memory_space<hbm>>
    %dma_start3A_203 = tpu.memref_slice %arg7[%dma_start3A_200] : memref<2x!tpu.dma_semaphore, #tpu.memory_space<semaphore_mem>> -> memref<1x!tpu.dma_semaphore, #tpu.memory_space<semaphore_mem>>
    %dma_start3A_204 = tpu.memref_squeeze %dma_start3A_203 : memref<1x!tpu.dma_semaphore, #tpu.memory_space<semaphore_mem>> -> memref<!tpu.dma_semaphore, #tpu.memory_space<semaphore_mem>>
    %dma_start3A_205 = arith.constant 0 : i32
    %dma_start3A_206 = tpu.memref_slice %arg3[%dma_start3A_205, %mul3A_199] : memref<32x1000000xf32, #tpu.memory_space<hbm>> -> memref<32x1664xf32, #tpu.memory_space<hbm>>
    tpu.enqueue_dma source(%arg5 : memref<32x1664xf32, #tpu.memory_space<vmem>>) target(%dma_start3A_206 : memref<32x1664xf32, #tpu.memory_space<hbm>>) target_semaphore(%dma_start3A_204 : memref<!tpu.dma_semaphore, #tpu.memory_space<semaphore_mem>>)
    %mul3A_207 = arith.constant 15 : i32
    %mul3A_208 = arith.muli %add3A, %mul3A_207 : i32
    %add3A_209 = arith.constant 3 : i32
    %add3A_210 = arith.addi %mul3A_208, %add3A_209 : i32
    %mul3A_211 = arith.constant 1664 : i32
    %mul3A_212 = arith.muli %add3A_210, %mul3A_211 : i32
    %dma_wait3A_213 = arith.constant 1 : i32
    %dma_wait3A_214 = arith.constant 0 : i32
    %dma_wait3A_215 = tpu.memref_slice %arg3[%dma_wait3A_214, %mul3A_212] : memref<32x1000000xf32, #tpu.memory_space<hbm>> -> memref<32x1664xf32, #tpu.memory_space<hbm>>
    %dma_wait3A_216 = tpu.memref_slice %arg7[%dma_wait3A_213] : memref<2x!tpu.dma_semaphore, #tpu.memory_space<semaphore_mem>> -> memref<1x!tpu.dma_semaphore, #tpu.memory_space<semaphore_mem>>
    %dma_wait3A_217 = tpu.memref_squeeze %dma_wait3A_216 : memref<1x!tpu.dma_semaphore, #tpu.memory_space<semaphore_mem>> -> memref<!tpu.dma_semaphore, #tpu.memory_space<semaphore_mem>>
    %dma_wait3A_218 = arith.constant 0 : i32
    %dma_wait3A_219 = tpu.memref_slice %arg3[%dma_wait3A_218, %mul3A_212] : memref<32x1000000xf32, #tpu.memory_space<hbm>> -> memref<32x1664xf32, #tpu.memory_space<hbm>>
    tpu.wait_dma2 semaphore(%dma_wait3A_217 : memref<!tpu.dma_semaphore, #tpu.memory_space<semaphore_mem>>) src(%arg5 : memref<32x1664xf32, #tpu.memory_space<vmem>>) dst(%dma_wait3A_219 : memref<32x1664xf32, #tpu.memory_space<hbm>>)
    %mul3A_220 = arith.constant 15 : i32
    %mul3A_221 = arith.muli %add3A, %mul3A_220 : i32
    %add3A_222 = arith.constant 5 : i32
    %add3A_223 = arith.addi %mul3A_221, %add3A_222 : i32
    %mul3A_224 = arith.constant 1664 : i32
    %mul3A_225 = arith.muli %add3A_223, %mul3A_224 : i32
    %dma_start3A_226 = arith.constant 1 : i32
    %dma_start3A_227 = arith.constant 0 : i32
    %dma_start3A_228 = tpu.memref_slice %arg2[%dma_start3A_227, %mul3A_225] : memref<32x1000000xf32, #tpu.memory_space<hbm>> -> memref<32x1664xf32, #tpu.memory_space<hbm>>
    %dma_start3A_229 = tpu.memref_slice %arg6[%dma_start3A_226] : memref<2x!tpu.dma_semaphore, #tpu.memory_space<semaphore_mem>> -> memref<1x!tpu.dma_semaphore, #tpu.memory_space<semaphore_mem>>
    %dma_start3A_230 = tpu.memref_squeeze %dma_start3A_229 : memref<1x!tpu.dma_semaphore, #tpu.memory_space<semaphore_mem>> -> memref<!tpu.dma_semaphore, #tpu.memory_space<semaphore_mem>>
    %dma_start3A_231 = arith.constant 0 : i32
    %dma_start3A_232 = tpu.memref_slice %arg2[%dma_start3A_231, %mul3A_225] : memref<32x1000000xf32, #tpu.memory_space<hbm>> -> memref<32x1664xf32, #tpu.memory_space<hbm>>
    tpu.enqueue_dma source(%dma_start3A_232 : memref<32x1664xf32, #tpu.memory_space<hbm>>) target(%arg5 : memref<32x1664xf32, #tpu.memory_space<vmem>>) target_semaphore(%dma_start3A_230 : memref<!tpu.dma_semaphore, #tpu.memory_space<semaphore_mem>>)
    %mul3A_233 = arith.constant 15 : i32
    %mul3A_234 = arith.muli %add3A, %mul3A_233 : i32
    %add3A_235 = arith.constant 4 : i32
    %add3A_236 = arith.addi %mul3A_234, %add3A_235 : i32
    %mul3A_237 = arith.constant 1664 : i32
    %mul3A_238 = arith.muli %add3A_236, %mul3A_237 : i32
    %dma_wait3A_239 = arith.constant 0 : i32
    %dma_wait3A_240 = arith.constant 0 : i32
    %dma_wait3A_241 = tpu.memref_slice %arg2[%dma_wait3A_240, %mul3A_238] : memref<32x1000000xf32, #tpu.memory_space<hbm>> -> memref<32x1664xf32, #tpu.memory_space<hbm>>
    %dma_wait3A_242 = tpu.memref_slice %arg6[%dma_wait3A_239] : memref<2x!tpu.dma_semaphore, #tpu.memory_space<semaphore_mem>> -> memref<1x!tpu.dma_semaphore, #tpu.memory_space<semaphore_mem>>
    %dma_wait3A_243 = tpu.memref_squeeze %dma_wait3A_242 : memref<1x!tpu.dma_semaphore, #tpu.memory_space<semaphore_mem>> -> memref<!tpu.dma_semaphore, #tpu.memory_space<semaphore_mem>>
    %dma_wait3A_244 = arith.constant 0 : i32
    %dma_wait3A_245 = tpu.memref_slice %arg2[%dma_wait3A_244, %mul3A_238] : memref<32x1000000xf32, #tpu.memory_space<hbm>> -> memref<32x1664xf32, #tpu.memory_space<hbm>>
    tpu.wait_dma2 semaphore(%dma_wait3A_243 : memref<!tpu.dma_semaphore, #tpu.memory_space<semaphore_mem>>) src(%dma_wait3A_245 : memref<32x1664xf32, #tpu.memory_space<hbm>>) dst(%arg4 : memref<32x1664xf32, #tpu.memory_space<vmem>>)
    %mul3A_246 = arith.constant 15 : i32
    %mul3A_247 = arith.muli %add3A, %mul3A_246 : i32
    %add3A_248 = arith.constant 4 : i32
    %add3A_249 = arith.addi %mul3A_247, %add3A_248 : i32
    %mul3A_250 = arith.constant 1664 : i32
    %mul3A_251 = arith.muli %add3A_249, %mul3A_250 : i32
    %dma_start3A_252 = arith.constant 0 : i32
    %dma_start3A_253 = arith.constant 0 : i32
    %dma_start3A_254 = tpu.memref_slice %arg3[%dma_start3A_253, %mul3A_251] : memref<32x1000000xf32, #tpu.memory_space<hbm>> -> memref<32x1664xf32, #tpu.memory_space<hbm>>
    %dma_start3A_255 = tpu.memref_slice %arg7[%dma_start3A_252] : memref<2x!tpu.dma_semaphore, #tpu.memory_space<semaphore_mem>> -> memref<1x!tpu.dma_semaphore, #tpu.memory_space<semaphore_mem>>
    %dma_start3A_256 = tpu.memref_squeeze %dma_start3A_255 : memref<1x!tpu.dma_semaphore, #tpu.memory_space<semaphore_mem>> -> memref<!tpu.dma_semaphore, #tpu.memory_space<semaphore_mem>>
    %dma_start3A_257 = arith.constant 0 : i32
    %dma_start3A_258 = tpu.memref_slice %arg3[%dma_start3A_257, %mul3A_251] : memref<32x1000000xf32, #tpu.memory_space<hbm>> -> memref<32x1664xf32, #tpu.memory_space<hbm>>
    tpu.enqueue_dma source(%arg4 : memref<32x1664xf32, #tpu.memory_space<vmem>>) target(%dma_start3A_258 : memref<32x1664xf32, #tpu.memory_space<hbm>>) target_semaphore(%dma_start3A_256 : memref<!tpu.dma_semaphore, #tpu.memory_space<semaphore_mem>>)
    %mul3A_259 = arith.constant 15 : i32
    %mul3A_260 = arith.muli %add3A, %mul3A_259 : i32
    %add3A_261 = arith.constant 4 : i32
    %add3A_262 = arith.addi %mul3A_260, %add3A_261 : i32
    %mul3A_263 = arith.constant 1664 : i32
    %mul3A_264 = arith.muli %add3A_262, %mul3A_263 : i32
    %dma_wait3A_265 = arith.constant 0 : i32
    %dma_wait3A_266 = arith.constant 0 : i32
    %dma_wait3A_267 = tpu.memref_slice %arg3[%dma_wait3A_266, %mul3A_264] : memref<32x1000000xf32, #tpu.memory_space<hbm>> -> memref<32x1664xf32, #tpu.memory_space<hbm>>
    %dma_wait3A_268 = tpu.memref_slice %arg7[%dma_wait3A_265] : memref<2x!tpu.dma_semaphore, #tpu.memory_space<semaphore_mem>> -> memref<1x!tpu.dma_semaphore, #tpu.memory_space<semaphore_mem>>
    %dma_wait3A_269 = tpu.memref_squeeze %dma_wait3A_268 : memref<1x!tpu.dma_semaphore, #tpu.memory_space<semaphore_mem>> -> memref<!tpu.dma_semaphore, #tpu.memory_space<semaphore_mem>>
    %dma_wait3A_270 = arith.constant 0 : i32
    %dma_wait3A_271 = tpu.memref_slice %arg3[%dma_wait3A_270, %mul3A_264] : memref<32x1000000xf32, #tpu.memory_space<hbm>> -> memref<32x1664xf32, #tpu.memory_space<hbm>>
    tpu.wait_dma2 semaphore(%dma_wait3A_269 : memref<!tpu.dma_semaphore, #tpu.memory_space<semaphore_mem>>) src(%arg4 : memref<32x1664xf32, #tpu.memory_space<vmem>>) dst(%dma_wait3A_271 : memref<32x1664xf32, #tpu.memory_space<hbm>>)
    %mul3A_272 = arith.constant 15 : i32
    %mul3A_273 = arith.muli %add3A, %mul3A_272 : i32
    %add3A_274 = arith.constant 6 : i32
    %add3A_275 = arith.addi %mul3A_273, %add3A_274 : i32
    %mul3A_276 = arith.constant 1664 : i32
    %mul3A_277 = arith.muli %add3A_275, %mul3A_276 : i32
    %dma_start3A_278 = arith.constant 0 : i32
    %dma_start3A_279 = arith.constant 0 : i32
    %dma_start3A_280 = tpu.memref_slice %arg2[%dma_start3A_279, %mul3A_277] : memref<32x1000000xf32, #tpu.memory_space<hbm>> -> memref<32x1664xf32, #tpu.memory_space<hbm>>
    %dma_start3A_281 = tpu.memref_slice %arg6[%dma_start3A_278] : memref<2x!tpu.dma_semaphore, #tpu.memory_space<semaphore_mem>> -> memref<1x!tpu.dma_semaphore, #tpu.memory_space<semaphore_mem>>
    %dma_start3A_282 = tpu.memref_squeeze %dma_start3A_281 : memref<1x!tpu.dma_semaphore, #tpu.memory_space<semaphore_mem>> -> memref<!tpu.dma_semaphore, #tpu.memory_space<semaphore_mem>>
    %dma_start3A_283 = arith.constant 0 : i32
    %dma_start3A_284 = tpu.memref_slice %arg2[%dma_start3A_283, %mul3A_277] : memref<32x1000000xf32, #tpu.memory_space<hbm>> -> memref<32x1664xf32, #tpu.memory_space<hbm>>
    tpu.enqueue_dma source(%dma_start3A_284 : memref<32x1664xf32, #tpu.memory_space<hbm>>) target(%arg4 : memref<32x1664xf32, #tpu.memory_space<vmem>>) target_semaphore(%dma_start3A_282 : memref<!tpu.dma_semaphore, #tpu.memory_space<semaphore_mem>>)
    %mul3A_285 = arith.constant 15 : i32
    %mul3A_286 = arith.muli %add3A, %mul3A_285 : i32
    %add3A_287 = arith.constant 5 : i32
    %add3A_288 = arith.addi %mul3A_286, %add3A_287 : i32
    %mul3A_289 = arith.constant 1664 : i32
    %mul3A_290 = arith.muli %add3A_288, %mul3A_289 : i32
    %dma_wait3A_291 = arith.constant 1 : i32
    %dma_wait3A_292 = arith.constant 0 : i32
    %dma_wait3A_293 = tpu.memref_slice %arg2[%dma_wait3A_292, %mul3A_290] : memref<32x1000000xf32, #tpu.memory_space<hbm>> -> memref<32x1664xf32, #tpu.memory_space<hbm>>
    %dma_wait3A_294 = tpu.memref_slice %arg6[%dma_wait3A_291] : memref<2x!tpu.dma_semaphore, #tpu.memory_space<semaphore_mem>> -> memref<1x!tpu.dma_semaphore, #tpu.memory_space<semaphore_mem>>
    %dma_wait3A_295 = tpu.memref_squeeze %dma_wait3A_294 : memref<1x!tpu.dma_semaphore, #tpu.memory_space<semaphore_mem>> -> memref<!tpu.dma_semaphore, #tpu.memory_space<semaphore_mem>>
    %dma_wait3A_296 = arith.constant 0 : i32
    %dma_wait3A_297 = tpu.memref_slice %arg2[%dma_wait3A_296, %mul3A_290] : memref<32x1000000xf32, #tpu.memory_space<hbm>> -> memref<32x1664xf32, #tpu.memory_space<hbm>>
    tpu.wait_dma2 semaphore(%dma_wait3A_295 : memref<!tpu.dma_semaphore, #tpu.memory_space<semaphore_mem>>) src(%dma_wait3A_297 : memref<32x1664xf32, #tpu.memory_space<hbm>>) dst(%arg5 : memref<32x1664xf32, #tpu.memory_space<vmem>>)
    %mul3A_298 = arith.constant 15 : i32
    %mul3A_299 = arith.muli %add3A, %mul3A_298 : i32
    %add3A_300 = arith.constant 5 : i32
    %add3A_301 = arith.addi %mul3A_299, %add3A_300 : i32
    %mul3A_302 = arith.constant 1664 : i32
    %mul3A_303 = arith.muli %add3A_301, %mul3A_302 : i32
    %dma_start3A_304 = arith.constant 1 : i32
    %dma_start3A_305 = arith.constant 0 : i32
    %dma_start3A_306 = tpu.memref_slice %arg3[%dma_start3A_305, %mul3A_303] : memref<32x1000000xf32, #tpu.memory_space<hbm>> -> memref<32x1664xf32, #tpu.memory_space<hbm>>
    %dma_start3A_307 = tpu.memref_slice %arg7[%dma_start3A_304] : memref<2x!tpu.dma_semaphore, #tpu.memory_space<semaphore_mem>> -> memref<1x!tpu.dma_semaphore, #tpu.memory_space<semaphore_mem>>
    %dma_start3A_308 = tpu.memref_squeeze %dma_start3A_307 : memref<1x!tpu.dma_semaphore, #tpu.memory_space<semaphore_mem>> -> memref<!tpu.dma_semaphore, #tpu.memory_space<semaphore_mem>>
    %dma_start3A_309 = arith.constant 0 : i32
    %dma_start3A_310 = tpu.memref_slice %arg3[%dma_start3A_309, %mul3A_303] : memref<32x1000000xf32, #tpu.memory_space<hbm>> -> memref<32x1664xf32, #tpu.memory_space<hbm>>
    tpu.enqueue_dma source(%arg5 : memref<32x1664xf32, #tpu.memory_space<vmem>>) target(%dma_start3A_310 : memref<32x1664xf32, #tpu.memory_space<hbm>>) target_semaphore(%dma_start3A_308 : memref<!tpu.dma_semaphore, #tpu.memory_space<semaphore_mem>>)
    %mul3A_311 = arith.constant 15 : i32
    %mul3A_312 = arith.muli %add3A, %mul3A_311 : i32
    %add3A_313 = arith.constant 5 : i32
    %add3A_314 = arith.addi %mul3A_312, %add3A_313 : i32
    %mul3A_315 = arith.constant 1664 : i32
    %mul3A_316 = arith.muli %add3A_314, %mul3A_315 : i32
    %dma_wait3A_317 = arith.constant 1 : i32
    %dma_wait3A_318 = arith.constant 0 : i32
    %dma_wait3A_319 = tpu.memref_slice %arg3[%dma_wait3A_318, %mul3A_316] : memref<32x1000000xf32, #tpu.memory_space<hbm>> -> memref<32x1664xf32, #tpu.memory_space<hbm>>
    %dma_wait3A_320 = tpu.memref_slice %arg7[%dma_wait3A_317] : memref<2x!tpu.dma_semaphore, #tpu.memory_space<semaphore_mem>> -> memref<1x!tpu.dma_semaphore, #tpu.memory_space<semaphore_mem>>
    %dma_wait3A_321 = tpu.memref_squeeze %dma_wait3A_320 : memref<1x!tpu.dma_semaphore, #tpu.memory_space<semaphore_mem>> -> memref<!tpu.dma_semaphore, #tpu.memory_space<semaphore_mem>>
    %dma_wait3A_322 = arith.constant 0 : i32
    %dma_wait3A_323 = tpu.memref_slice %arg3[%dma_wait3A_322, %mul3A_316] : memref<32x1000000xf32, #tpu.memory_space<hbm>> -> memref<32x1664xf32, #tpu.memory_space<hbm>>
    tpu.wait_dma2 semaphore(%dma_wait3A_321 : memref<!tpu.dma_semaphore, #tpu.memory_space<semaphore_mem>>) src(%arg5 : memref<32x1664xf32, #tpu.memory_space<vmem>>) dst(%dma_wait3A_323 : memref<32x1664xf32, #tpu.memory_space<hbm>>)
    %mul3A_324 = arith.constant 15 : i32
    %mul3A_325 = arith.muli %add3A, %mul3A_324 : i32
    %add3A_326 = arith.constant 7 : i32
    %add3A_327 = arith.addi %mul3A_325, %add3A_326 : i32
    %mul3A_328 = arith.constant 1664 : i32
    %mul3A_329 = arith.muli %add3A_327, %mul3A_328 : i32
    %dma_start3A_330 = arith.constant 1 : i32
    %dma_start3A_331 = arith.constant 0 : i32
    %dma_start3A_332 = tpu.memref_slice %arg2[%dma_start3A_331, %mul3A_329] : memref<32x1000000xf32, #tpu.memory_space<hbm>> -> memref<32x1664xf32, #tpu.memory_space<hbm>>
    %dma_start3A_333 = tpu.memref_slice %arg6[%dma_start3A_330] : memref<2x!tpu.dma_semaphore, #tpu.memory_space<semaphore_mem>> -> memref<1x!tpu.dma_semaphore, #tpu.memory_space<semaphore_mem>>
    %dma_start3A_334 = tpu.memref_squeeze %dma_start3A_333 : memref<1x!tpu.dma_semaphore, #tpu.memory_space<semaphore_mem>> -> memref<!tpu.dma_semaphore, #tpu.memory_space<semaphore_mem>>
    %dma_start3A_335 = arith.constant 0 : i32
    %dma_start3A_336 = tpu.memref_slice %arg2[%dma_start3A_335, %mul3A_329] : memref<32x1000000xf32, #tpu.memory_space<hbm>> -> memref<32x1664xf32, #tpu.memory_space<hbm>>
    tpu.enqueue_dma source(%dma_start3A_336 : memref<32x1664xf32, #tpu.memory_space<hbm>>) target(%arg5 : memref<32x1664xf32, #tpu.memory_space<vmem>>) target_semaphore(%dma_start3A_334 : memref<!tpu.dma_semaphore, #tpu.memory_space<semaphore_mem>>)
    %mul3A_337 = arith.constant 15 : i32
    %mul3A_338 = arith.muli %add3A, %mul3A_337 : i32
    %add3A_339 = arith.constant 6 : i32
    %add3A_340 = arith.addi %mul3A_338, %add3A_339 : i32
    %mul3A_341 = arith.constant 1664 : i32
    %mul3A_342 = arith.muli %add3A_340, %mul3A_341 : i32
    %dma_wait3A_343 = arith.constant 0 : i32
    %dma_wait3A_344 = arith.constant 0 : i32
    %dma_wait3A_345 = tpu.memref_slice %arg2[%dma_wait3A_344, %mul3A_342] : memref<32x1000000xf32, #tpu.memory_space<hbm>> -> memref<32x1664xf32, #tpu.memory_space<hbm>>
    %dma_wait3A_346 = tpu.memref_slice %arg6[%dma_wait3A_343] : memref<2x!tpu.dma_semaphore, #tpu.memory_space<semaphore_mem>> -> memref<1x!tpu.dma_semaphore, #tpu.memory_space<semaphore_mem>>
    %dma_wait3A_347 = tpu.memref_squeeze %dma_wait3A_346 : memref<1x!tpu.dma_semaphore, #tpu.memory_space<semaphore_mem>> -> memref<!tpu.dma_semaphore, #tpu.memory_space<semaphore_mem>>
    %dma_wait3A_348 = arith.constant 0 : i32
    %dma_wait3A_349 = tpu.memref_slice %arg2[%dma_wait3A_348, %mul3A_342] : memref<32x1000000xf32, #tpu.memory_space<hbm>> -> memref<32x1664xf32, #tpu.memory_space<hbm>>
    tpu.wait_dma2 semaphore(%dma_wait3A_347 : memref<!tpu.dma_semaphore, #tpu.memory_space<semaphore_mem>>) src(%dma_wait3A_349 : memref<32x1664xf32, #tpu.memory_space<hbm>>) dst(%arg4 : memref<32x1664xf32, #tpu.memory_space<vmem>>)
    %mul3A_350 = arith.constant 15 : i32
    %mul3A_351 = arith.muli %add3A, %mul3A_350 : i32
    %add3A_352 = arith.constant 6 : i32
    %add3A_353 = arith.addi %mul3A_351, %add3A_352 : i32
    %mul3A_354 = arith.constant 1664 : i32
    %mul3A_355 = arith.muli %add3A_353, %mul3A_354 : i32
    %dma_start3A_356 = arith.constant 0 : i32
    %dma_start3A_357 = arith.constant 0 : i32
    %dma_start3A_358 = tpu.memref_slice %arg3[%dma_start3A_357, %mul3A_355] : memref<32x1000000xf32, #tpu.memory_space<hbm>> -> memref<32x1664xf32, #tpu.memory_space<hbm>>
    %dma_start3A_359 = tpu.memref_slice %arg7[%dma_start3A_356] : memref<2x!tpu.dma_semaphore, #tpu.memory_space<semaphore_mem>> -> memref<1x!tpu.dma_semaphore, #tpu.memory_space<semaphore_mem>>
    %dma_start3A_360 = tpu.memref_squeeze %dma_start3A_359 : memref<1x!tpu.dma_semaphore, #tpu.memory_space<semaphore_mem>> -> memref<!tpu.dma_semaphore, #tpu.memory_space<semaphore_mem>>
    %dma_start3A_361 = arith.constant 0 : i32
    %dma_start3A_362 = tpu.memref_slice %arg3[%dma_start3A_361, %mul3A_355] : memref<32x1000000xf32, #tpu.memory_space<hbm>> -> memref<32x1664xf32, #tpu.memory_space<hbm>>
    tpu.enqueue_dma source(%arg4 : memref<32x1664xf32, #tpu.memory_space<vmem>>) target(%dma_start3A_362 : memref<32x1664xf32, #tpu.memory_space<hbm>>) target_semaphore(%dma_start3A_360 : memref<!tpu.dma_semaphore, #tpu.memory_space<semaphore_mem>>)
    %mul3A_363 = arith.constant 15 : i32
    %mul3A_364 = arith.muli %add3A, %mul3A_363 : i32
    %add3A_365 = arith.constant 6 : i32
    %add3A_366 = arith.addi %mul3A_364, %add3A_365 : i32
    %mul3A_367 = arith.constant 1664 : i32
    %mul3A_368 = arith.muli %add3A_366, %mul3A_367 : i32
    %dma_wait3A_369 = arith.constant 0 : i32
    %dma_wait3A_370 = arith.constant 0 : i32
    %dma_wait3A_371 = tpu.memref_slice %arg3[%dma_wait3A_370, %mul3A_368] : memref<32x1000000xf32, #tpu.memory_space<hbm>> -> memref<32x1664xf32, #tpu.memory_space<hbm>>
    %dma_wait3A_372 = tpu.memref_slice %arg7[%dma_wait3A_369] : memref<2x!tpu.dma_semaphore, #tpu.memory_space<semaphore_mem>> -> memref<1x!tpu.dma_semaphore, #tpu.memory_space<semaphore_mem>>
    %dma_wait3A_373 = tpu.memref_squeeze %dma_wait3A_372 : memref<1x!tpu.dma_semaphore, #tpu.memory_space<semaphore_mem>> -> memref<!tpu.dma_semaphore, #tpu.memory_space<semaphore_mem>>
    %dma_wait3A_374 = arith.constant 0 : i32
    %dma_wait3A_375 = tpu.memref_slice %arg3[%dma_wait3A_374, %mul3A_368] : memref<32x1000000xf32, #tpu.memory_space<hbm>> -> memref<32x1664xf32, #tpu.memory_space<hbm>>
    tpu.wait_dma2 semaphore(%dma_wait3A_373 : memref<!tpu.dma_semaphore, #tpu.memory_space<semaphore_mem>>) src(%arg4 : memref<32x1664xf32, #tpu.memory_space<vmem>>) dst(%dma_wait3A_375 : memref<32x1664xf32, #tpu.memory_space<hbm>>)
    %mul3A_376 = arith.constant 15 : i32
    %mul3A_377 = arith.muli %add3A, %mul3A_376 : i32
    %add3A_378 = arith.constant 8 : i32
    %add3A_379 = arith.addi %mul3A_377, %add3A_378 : i32
    %mul3A_380 = arith.constant 1664 : i32
    %mul3A_381 = arith.muli %add3A_379, %mul3A_380 : i32
    %dma_start3A_382 = arith.constant 0 : i32
    %dma_start3A_383 = arith.constant 0 : i32
    %dma_start3A_384 = tpu.memref_slice %arg2[%dma_start3A_383, %mul3A_381] : memref<32x1000000xf32, #tpu.memory_space<hbm>> -> memref<32x1664xf32, #tpu.memory_space<hbm>>
    %dma_start3A_385 = tpu.memref_slice %arg6[%dma_start3A_382] : memref<2x!tpu.dma_semaphore, #tpu.memory_space<semaphore_mem>> -> memref<1x!tpu.dma_semaphore, #tpu.memory_space<semaphore_mem>>
    %dma_start3A_386 = tpu.memref_squeeze %dma_start3A_385 : memref<1x!tpu.dma_semaphore, #tpu.memory_space<semaphore_mem>> -> memref<!tpu.dma_semaphore, #tpu.memory_space<semaphore_mem>>
    %dma_start3A_387 = arith.constant 0 : i32
    %dma_start3A_388 = tpu.memref_slice %arg2[%dma_start3A_387, %mul3A_381] : memref<32x1000000xf32, #tpu.memory_space<hbm>> -> memref<32x1664xf32, #tpu.memory_space<hbm>>
    tpu.enqueue_dma source(%dma_start3A_388 : memref<32x1664xf32, #tpu.memory_space<hbm>>) target(%arg4 : memref<32x1664xf32, #tpu.memory_space<vmem>>) target_semaphore(%dma_start3A_386 : memref<!tpu.dma_semaphore, #tpu.memory_space<semaphore_mem>>)
    %mul3A_389 = arith.constant 15 : i32
    %mul3A_390 = arith.muli %add3A, %mul3A_389 : i32
    %add3A_391 = arith.constant 7 : i32
    %add3A_392 = arith.addi %mul3A_390, %add3A_391 : i32
    %mul3A_393 = arith.constant 1664 : i32
    %mul3A_394 = arith.muli %add3A_392, %mul3A_393 : i32
    %dma_wait3A_395 = arith.constant 1 : i32
    %dma_wait3A_396 = arith.constant 0 : i32
    %dma_wait3A_397 = tpu.memref_slice %arg2[%dma_wait3A_396, %mul3A_394] : memref<32x1000000xf32, #tpu.memory_space<hbm>> -> memref<32x1664xf32, #tpu.memory_space<hbm>>
    %dma_wait3A_398 = tpu.memref_slice %arg6[%dma_wait3A_395] : memref<2x!tpu.dma_semaphore, #tpu.memory_space<semaphore_mem>> -> memref<1x!tpu.dma_semaphore, #tpu.memory_space<semaphore_mem>>
    %dma_wait3A_399 = tpu.memref_squeeze %dma_wait3A_398 : memref<1x!tpu.dma_semaphore, #tpu.memory_space<semaphore_mem>> -> memref<!tpu.dma_semaphore, #tpu.memory_space<semaphore_mem>>
    %dma_wait3A_400 = arith.constant 0 : i32
    %dma_wait3A_401 = tpu.memref_slice %arg2[%dma_wait3A_400, %mul3A_394] : memref<32x1000000xf32, #tpu.memory_space<hbm>> -> memref<32x1664xf32, #tpu.memory_space<hbm>>
    tpu.wait_dma2 semaphore(%dma_wait3A_399 : memref<!tpu.dma_semaphore, #tpu.memory_space<semaphore_mem>>) src(%dma_wait3A_401 : memref<32x1664xf32, #tpu.memory_space<hbm>>) dst(%arg5 : memref<32x1664xf32, #tpu.memory_space<vmem>>)
    %mul3A_402 = arith.constant 15 : i32
    %mul3A_403 = arith.muli %add3A, %mul3A_402 : i32
    %add3A_404 = arith.constant 7 : i32
    %add3A_405 = arith.addi %mul3A_403, %add3A_404 : i32
    %mul3A_406 = arith.constant 1664 : i32
    %mul3A_407 = arith.muli %add3A_405, %mul3A_406 : i32
    %dma_start3A_408 = arith.constant 1 : i32
    %dma_start3A_409 = arith.constant 0 : i32
    %dma_start3A_410 = tpu.memref_slice %arg3[%dma_start3A_409, %mul3A_407] : memref<32x1000000xf32, #tpu.memory_space<hbm>> -> memref<32x1664xf32, #tpu.memory_space<hbm>>
    %dma_start3A_411 = tpu.memref_slice %arg7[%dma_start3A_408] : memref<2x!tpu.dma_semaphore, #tpu.memory_space<semaphore_mem>> -> memref<1x!tpu.dma_semaphore, #tpu.memory_space<semaphore_mem>>
    %dma_start3A_412 = tpu.memref_squeeze %dma_start3A_411 : memref<1x!tpu.dma_semaphore, #tpu.memory_space<semaphore_mem>> -> memref<!tpu.dma_semaphore, #tpu.memory_space<semaphore_mem>>
    %dma_start3A_413 = arith.constant 0 : i32
    %dma_start3A_414 = tpu.memref_slice %arg3[%dma_start3A_413, %mul3A_407] : memref<32x1000000xf32, #tpu.memory_space<hbm>> -> memref<32x1664xf32, #tpu.memory_space<hbm>>
    tpu.enqueue_dma source(%arg5 : memref<32x1664xf32, #tpu.memory_space<vmem>>) target(%dma_start3A_414 : memref<32x1664xf32, #tpu.memory_space<hbm>>) target_semaphore(%dma_start3A_412 : memref<!tpu.dma_semaphore, #tpu.memory_space<semaphore_mem>>)
    %mul3A_415 = arith.constant 15 : i32
    %mul3A_416 = arith.muli %add3A, %mul3A_415 : i32
    %add3A_417 = arith.constant 7 : i32
    %add3A_418 = arith.addi %mul3A_416, %add3A_417 : i32
    %mul3A_419 = arith.constant 1664 : i32
    %mul3A_420 = arith.muli %add3A_418, %mul3A_419 : i32
    %dma_wait3A_421 = arith.constant 1 : i32
    %dma_wait3A_422 = arith.constant 0 : i32
    %dma_wait3A_423 = tpu.memref_slice %arg3[%dma_wait3A_422, %mul3A_420] : memref<32x1000000xf32, #tpu.memory_space<hbm>> -> memref<32x1664xf32, #tpu.memory_space<hbm>>
    %dma_wait3A_424 = tpu.memref_slice %arg7[%dma_wait3A_421] : memref<2x!tpu.dma_semaphore, #tpu.memory_space<semaphore_mem>> -> memref<1x!tpu.dma_semaphore, #tpu.memory_space<semaphore_mem>>
    %dma_wait3A_425 = tpu.memref_squeeze %dma_wait3A_424 : memref<1x!tpu.dma_semaphore, #tpu.memory_space<semaphore_mem>> -> memref<!tpu.dma_semaphore, #tpu.memory_space<semaphore_mem>>
    %dma_wait3A_426 = arith.constant 0 : i32
    %dma_wait3A_427 = tpu.memref_slice %arg3[%dma_wait3A_426, %mul3A_420] : memref<32x1000000xf32, #tpu.memory_space<hbm>> -> memref<32x1664xf32, #tpu.memory_space<hbm>>
    tpu.wait_dma2 semaphore(%dma_wait3A_425 : memref<!tpu.dma_semaphore, #tpu.memory_space<semaphore_mem>>) src(%arg5 : memref<32x1664xf32, #tpu.memory_space<vmem>>) dst(%dma_wait3A_427 : memref<32x1664xf32, #tpu.memory_space<hbm>>)
    %mul3A_428 = arith.constant 15 : i32
    %mul3A_429 = arith.muli %add3A, %mul3A_428 : i32
    %add3A_430 = arith.constant 9 : i32
    %add3A_431 = arith.addi %mul3A_429, %add3A_430 : i32
    %mul3A_432 = arith.constant 1664 : i32
    %mul3A_433 = arith.muli %add3A_431, %mul3A_432 : i32
    %dma_start3A_434 = arith.constant 1 : i32
    %dma_start3A_435 = arith.constant 0 : i32
    %dma_start3A_436 = tpu.memref_slice %arg2[%dma_start3A_435, %mul3A_433] : memref<32x1000000xf32, #tpu.memory_space<hbm>> -> memref<32x1664xf32, #tpu.memory_space<hbm>>
    %dma_start3A_437 = tpu.memref_slice %arg6[%dma_start3A_434] : memref<2x!tpu.dma_semaphore, #tpu.memory_space<semaphore_mem>> -> memref<1x!tpu.dma_semaphore, #tpu.memory_space<semaphore_mem>>
    %dma_start3A_438 = tpu.memref_squeeze %dma_start3A_437 : memref<1x!tpu.dma_semaphore, #tpu.memory_space<semaphore_mem>> -> memref<!tpu.dma_semaphore, #tpu.memory_space<semaphore_mem>>
    %dma_start3A_439 = arith.constant 0 : i32
    %dma_start3A_440 = tpu.memref_slice %arg2[%dma_start3A_439, %mul3A_433] : memref<32x1000000xf32, #tpu.memory_space<hbm>> -> memref<32x1664xf32, #tpu.memory_space<hbm>>
    tpu.enqueue_dma source(%dma_start3A_440 : memref<32x1664xf32, #tpu.memory_space<hbm>>) target(%arg5 : memref<32x1664xf32, #tpu.memory_space<vmem>>) target_semaphore(%dma_start3A_438 : memref<!tpu.dma_semaphore, #tpu.memory_space<semaphore_mem>>)
    %mul3A_441 = arith.constant 15 : i32
    %mul3A_442 = arith.muli %add3A, %mul3A_441 : i32
    %add3A_443 = arith.constant 8 : i32
    %add3A_444 = arith.addi %mul3A_442, %add3A_443 : i32
    %mul3A_445 = arith.constant 1664 : i32
    %mul3A_446 = arith.muli %add3A_444, %mul3A_445 : i32
    %dma_wait3A_447 = arith.constant 0 : i32
    %dma_wait3A_448 = arith.constant 0 : i32
    %dma_wait3A_449 = tpu.memref_slice %arg2[%dma_wait3A_448, %mul3A_446] : memref<32x1000000xf32, #tpu.memory_space<hbm>> -> memref<32x1664xf32, #tpu.memory_space<hbm>>
    %dma_wait3A_450 = tpu.memref_slice %arg6[%dma_wait3A_447] : memref<2x!tpu.dma_semaphore, #tpu.memory_space<semaphore_mem>> -> memref<1x!tpu.dma_semaphore, #tpu.memory_space<semaphore_mem>>
    %dma_wait3A_451 = tpu.memref_squeeze %dma_wait3A_450 : memref<1x!tpu.dma_semaphore, #tpu.memory_space<semaphore_mem>> -> memref<!tpu.dma_semaphore, #tpu.memory_space<semaphore_mem>>
    %dma_wait3A_452 = arith.constant 0 : i32
    %dma_wait3A_453 = tpu.memref_slice %arg2[%dma_wait3A_452, %mul3A_446] : memref<32x1000000xf32, #tpu.memory_space<hbm>> -> memref<32x1664xf32, #tpu.memory_space<hbm>>
    tpu.wait_dma2 semaphore(%dma_wait3A_451 : memref<!tpu.dma_semaphore, #tpu.memory_space<semaphore_mem>>) src(%dma_wait3A_453 : memref<32x1664xf32, #tpu.memory_space<hbm>>) dst(%arg4 : memref<32x1664xf32, #tpu.memory_space<vmem>>)
    %mul3A_454 = arith.constant 15 : i32
    %mul3A_455 = arith.muli %add3A, %mul3A_454 : i32
    %add3A_456 = arith.constant 8 : i32
    %add3A_457 = arith.addi %mul3A_455, %add3A_456 : i32
    %mul3A_458 = arith.constant 1664 : i32
    %mul3A_459 = arith.muli %add3A_457, %mul3A_458 : i32
    %dma_start3A_460 = arith.constant 0 : i32
    %dma_start3A_461 = arith.constant 0 : i32
    %dma_start3A_462 = tpu.memref_slice %arg3[%dma_start3A_461, %mul3A_459] : memref<32x1000000xf32, #tpu.memory_space<hbm>> -> memref<32x1664xf32, #tpu.memory_space<hbm>>
    %dma_start3A_463 = tpu.memref_slice %arg7[%dma_start3A_460] : memref<2x!tpu.dma_semaphore, #tpu.memory_space<semaphore_mem>> -> memref<1x!tpu.dma_semaphore, #tpu.memory_space<semaphore_mem>>
    %dma_start3A_464 = tpu.memref_squeeze %dma_start3A_463 : memref<1x!tpu.dma_semaphore, #tpu.memory_space<semaphore_mem>> -> memref<!tpu.dma_semaphore, #tpu.memory_space<semaphore_mem>>
    %dma_start3A_465 = arith.constant 0 : i32
    %dma_start3A_466 = tpu.memref_slice %arg3[%dma_start3A_465, %mul3A_459] : memref<32x1000000xf32, #tpu.memory_space<hbm>> -> memref<32x1664xf32, #tpu.memory_space<hbm>>
    tpu.enqueue_dma source(%arg4 : memref<32x1664xf32, #tpu.memory_space<vmem>>) target(%dma_start3A_466 : memref<32x1664xf32, #tpu.memory_space<hbm>>) target_semaphore(%dma_start3A_464 : memref<!tpu.dma_semaphore, #tpu.memory_space<semaphore_mem>>)
    %mul3A_467 = arith.constant 15 : i32
    %mul3A_468 = arith.muli %add3A, %mul3A_467 : i32
    %add3A_469 = arith.constant 8 : i32
    %add3A_470 = arith.addi %mul3A_468, %add3A_469 : i32
    %mul3A_471 = arith.constant 1664 : i32
    %mul3A_472 = arith.muli %add3A_470, %mul3A_471 : i32
    %dma_wait3A_473 = arith.constant 0 : i32
    %dma_wait3A_474 = arith.constant 0 : i32
    %dma_wait3A_475 = tpu.memref_slice %arg3[%dma_wait3A_474, %mul3A_472] : memref<32x1000000xf32, #tpu.memory_space<hbm>> -> memref<32x1664xf32, #tpu.memory_space<hbm>>
    %dma_wait3A_476 = tpu.memref_slice %arg7[%dma_wait3A_473] : memref<2x!tpu.dma_semaphore, #tpu.memory_space<semaphore_mem>> -> memref<1x!tpu.dma_semaphore, #tpu.memory_space<semaphore_mem>>
    %dma_wait3A_477 = tpu.memref_squeeze %dma_wait3A_476 : memref<1x!tpu.dma_semaphore, #tpu.memory_space<semaphore_mem>> -> memref<!tpu.dma_semaphore, #tpu.memory_space<semaphore_mem>>
    %dma_wait3A_478 = arith.constant 0 : i32
    %dma_wait3A_479 = tpu.memref_slice %arg3[%dma_wait3A_478, %mul3A_472] : memref<32x1000000xf32, #tpu.memory_space<hbm>> -> memref<32x1664xf32, #tpu.memory_space<hbm>>
    tpu.wait_dma2 semaphore(%dma_wait3A_477 : memref<!tpu.dma_semaphore, #tpu.memory_space<semaphore_mem>>) src(%arg4 : memref<32x1664xf32, #tpu.memory_space<vmem>>) dst(%dma_wait3A_479 : memref<32x1664xf32, #tpu.memory_space<hbm>>)
    %mul3A_480 = arith.constant 15 : i32
    %mul3A_481 = arith.muli %add3A, %mul3A_480 : i32
    %add3A_482 = arith.constant 10 : i32
    %add3A_483 = arith.addi %mul3A_481, %add3A_482 : i32
    %mul3A_484 = arith.constant 1664 : i32
    %mul3A_485 = arith.muli %add3A_483, %mul3A_484 : i32
    %dma_start3A_486 = arith.constant 0 : i32
    %dma_start3A_487 = arith.constant 0 : i32
    %dma_start3A_488 = tpu.memref_slice %arg2[%dma_start3A_487, %mul3A_485] : memref<32x1000000xf32, #tpu.memory_space<hbm>> -> memref<32x1664xf32, #tpu.memory_space<hbm>>
    %dma_start3A_489 = tpu.memref_slice %arg6[%dma_start3A_486] : memref<2x!tpu.dma_semaphore, #tpu.memory_space<semaphore_mem>> -> memref<1x!tpu.dma_semaphore, #tpu.memory_space<semaphore_mem>>
    %dma_start3A_490 = tpu.memref_squeeze %dma_start3A_489 : memref<1x!tpu.dma_semaphore, #tpu.memory_space<semaphore_mem>> -> memref<!tpu.dma_semaphore, #tpu.memory_space<semaphore_mem>>
    %dma_start3A_491 = arith.constant 0 : i32
    %dma_start3A_492 = tpu.memref_slice %arg2[%dma_start3A_491, %mul3A_485] : memref<32x1000000xf32, #tpu.memory_space<hbm>> -> memref<32x1664xf32, #tpu.memory_space<hbm>>
    tpu.enqueue_dma source(%dma_start3A_492 : memref<32x1664xf32, #tpu.memory_space<hbm>>) target(%arg4 : memref<32x1664xf32, #tpu.memory_space<vmem>>) target_semaphore(%dma_start3A_490 : memref<!tpu.dma_semaphore, #tpu.memory_space<semaphore_mem>>)
    %mul3A_493 = arith.constant 15 : i32
    %mul3A_494 = arith.muli %add3A, %mul3A_493 : i32
    %add3A_495 = arith.constant 9 : i32
    %add3A_496 = arith.addi %mul3A_494, %add3A_495 : i32
    %mul3A_497 = arith.constant 1664 : i32
    %mul3A_498 = arith.muli %add3A_496, %mul3A_497 : i32
    %dma_wait3A_499 = arith.constant 1 : i32
    %dma_wait3A_500 = arith.constant 0 : i32
    %dma_wait3A_501 = tpu.memref_slice %arg2[%dma_wait3A_500, %mul3A_498] : memref<32x1000000xf32, #tpu.memory_space<hbm>> -> memref<32x1664xf32, #tpu.memory_space<hbm>>
    %dma_wait3A_502 = tpu.memref_slice %arg6[%dma_wait3A_499] : memref<2x!tpu.dma_semaphore, #tpu.memory_space<semaphore_mem>> -> memref<1x!tpu.dma_semaphore, #tpu.memory_space<semaphore_mem>>
    %dma_wait3A_503 = tpu.memref_squeeze %dma_wait3A_502 : memref<1x!tpu.dma_semaphore, #tpu.memory_space<semaphore_mem>> -> memref<!tpu.dma_semaphore, #tpu.memory_space<semaphore_mem>>
    %dma_wait3A_504 = arith.constant 0 : i32
    %dma_wait3A_505 = tpu.memref_slice %arg2[%dma_wait3A_504, %mul3A_498] : memref<32x1000000xf32, #tpu.memory_space<hbm>> -> memref<32x1664xf32, #tpu.memory_space<hbm>>
    tpu.wait_dma2 semaphore(%dma_wait3A_503 : memref<!tpu.dma_semaphore, #tpu.memory_space<semaphore_mem>>) src(%dma_wait3A_505 : memref<32x1664xf32, #tpu.memory_space<hbm>>) dst(%arg5 : memref<32x1664xf32, #tpu.memory_space<vmem>>)
    %mul3A_506 = arith.constant 15 : i32
    %mul3A_507 = arith.muli %add3A, %mul3A_506 : i32
    %add3A_508 = arith.constant 9 : i32
    %add3A_509 = arith.addi %mul3A_507, %add3A_508 : i32
    %mul3A_510 = arith.constant 1664 : i32
    %mul3A_511 = arith.muli %add3A_509, %mul3A_510 : i32
    %dma_start3A_512 = arith.constant 1 : i32
    %dma_start3A_513 = arith.constant 0 : i32
    %dma_start3A_514 = tpu.memref_slice %arg3[%dma_start3A_513, %mul3A_511] : memref<32x1000000xf32, #tpu.memory_space<hbm>> -> memref<32x1664xf32, #tpu.memory_space<hbm>>
    %dma_start3A_515 = tpu.memref_slice %arg7[%dma_start3A_512] : memref<2x!tpu.dma_semaphore, #tpu.memory_space<semaphore_mem>> -> memref<1x!tpu.dma_semaphore, #tpu.memory_space<semaphore_mem>>
    %dma_start3A_516 = tpu.memref_squeeze %dma_start3A_515 : memref<1x!tpu.dma_semaphore, #tpu.memory_space<semaphore_mem>> -> memref<!tpu.dma_semaphore, #tpu.memory_space<semaphore_mem>>
    %dma_start3A_517 = arith.constant 0 : i32
    %dma_start3A_518 = tpu.memref_slice %arg3[%dma_start3A_517, %mul3A_511] : memref<32x1000000xf32, #tpu.memory_space<hbm>> -> memref<32x1664xf32, #tpu.memory_space<hbm>>
    tpu.enqueue_dma source(%arg5 : memref<32x1664xf32, #tpu.memory_space<vmem>>) target(%dma_start3A_518 : memref<32x1664xf32, #tpu.memory_space<hbm>>) target_semaphore(%dma_start3A_516 : memref<!tpu.dma_semaphore, #tpu.memory_space<semaphore_mem>>)
    %mul3A_519 = arith.constant 15 : i32
    %mul3A_520 = arith.muli %add3A, %mul3A_519 : i32
    %add3A_521 = arith.constant 9 : i32
    %add3A_522 = arith.addi %mul3A_520, %add3A_521 : i32
    %mul3A_523 = arith.constant 1664 : i32
    %mul3A_524 = arith.muli %add3A_522, %mul3A_523 : i32
    %dma_wait3A_525 = arith.constant 1 : i32
    %dma_wait3A_526 = arith.constant 0 : i32
    %dma_wait3A_527 = tpu.memref_slice %arg3[%dma_wait3A_526, %mul3A_524] : memref<32x1000000xf32, #tpu.memory_space<hbm>> -> memref<32x1664xf32, #tpu.memory_space<hbm>>
    %dma_wait3A_528 = tpu.memref_slice %arg7[%dma_wait3A_525] : memref<2x!tpu.dma_semaphore, #tpu.memory_space<semaphore_mem>> -> memref<1x!tpu.dma_semaphore, #tpu.memory_space<semaphore_mem>>
    %dma_wait3A_529 = tpu.memref_squeeze %dma_wait3A_528 : memref<1x!tpu.dma_semaphore, #tpu.memory_space<semaphore_mem>> -> memref<!tpu.dma_semaphore, #tpu.memory_space<semaphore_mem>>
    %dma_wait3A_530 = arith.constant 0 : i32
    %dma_wait3A_531 = tpu.memref_slice %arg3[%dma_wait3A_530, %mul3A_524] : memref<32x1000000xf32, #tpu.memory_space<hbm>> -> memref<32x1664xf32, #tpu.memory_space<hbm>>
    tpu.wait_dma2 semaphore(%dma_wait3A_529 : memref<!tpu.dma_semaphore, #tpu.memory_space<semaphore_mem>>) src(%arg5 : memref<32x1664xf32, #tpu.memory_space<vmem>>) dst(%dma_wait3A_531 : memref<32x1664xf32, #tpu.memory_space<hbm>>)
    %mul3A_532 = arith.constant 15 : i32
    %mul3A_533 = arith.muli %add3A, %mul3A_532 : i32
    %add3A_534 = arith.constant 11 : i32
    %add3A_535 = arith.addi %mul3A_533, %add3A_534 : i32
    %mul3A_536 = arith.constant 1664 : i32
    %mul3A_537 = arith.muli %add3A_535, %mul3A_536 : i32
    %dma_start3A_538 = arith.constant 1 : i32
    %dma_start3A_539 = arith.constant 0 : i32
    %dma_start3A_540 = tpu.memref_slice %arg2[%dma_start3A_539, %mul3A_537] : memref<32x1000000xf32, #tpu.memory_space<hbm>> -> memref<32x1664xf32, #tpu.memory_space<hbm>>
    %dma_start3A_541 = tpu.memref_slice %arg6[%dma_start3A_538] : memref<2x!tpu.dma_semaphore, #tpu.memory_space<semaphore_mem>> -> memref<1x!tpu.dma_semaphore, #tpu.memory_space<semaphore_mem>>
    %dma_start3A_542 = tpu.memref_squeeze %dma_start3A_541 : memref<1x!tpu.dma_semaphore, #tpu.memory_space<semaphore_mem>> -> memref<!tpu.dma_semaphore, #tpu.memory_space<semaphore_mem>>
    %dma_start3A_543 = arith.constant 0 : i32
    %dma_start3A_544 = tpu.memref_slice %arg2[%dma_start3A_543, %mul3A_537] : memref<32x1000000xf32, #tpu.memory_space<hbm>> -> memref<32x1664xf32, #tpu.memory_space<hbm>>
    tpu.enqueue_dma source(%dma_start3A_544 : memref<32x1664xf32, #tpu.memory_space<hbm>>) target(%arg5 : memref<32x1664xf32, #tpu.memory_space<vmem>>) target_semaphore(%dma_start3A_542 : memref<!tpu.dma_semaphore, #tpu.memory_space<semaphore_mem>>)
    %mul3A_545 = arith.constant 15 : i32
    %mul3A_546 = arith.muli %add3A, %mul3A_545 : i32
    %add3A_547 = arith.constant 10 : i32
    %add3A_548 = arith.addi %mul3A_546, %add3A_547 : i32
    %mul3A_549 = arith.constant 1664 : i32
    %mul3A_550 = arith.muli %add3A_548, %mul3A_549 : i32
    %dma_wait3A_551 = arith.constant 0 : i32
    %dma_wait3A_552 = arith.constant 0 : i32
    %dma_wait3A_553 = tpu.memref_slice %arg2[%dma_wait3A_552, %mul3A_550] : memref<32x1000000xf32, #tpu.memory_space<hbm>> -> memref<32x1664xf32, #tpu.memory_space<hbm>>
    %dma_wait3A_554 = tpu.memref_slice %arg6[%dma_wait3A_551] : memref<2x!tpu.dma_semaphore, #tpu.memory_space<semaphore_mem>> -> memref<1x!tpu.dma_semaphore, #tpu.memory_space<semaphore_mem>>
    %dma_wait3A_555 = tpu.memref_squeeze %dma_wait3A_554 : memref<1x!tpu.dma_semaphore, #tpu.memory_space<semaphore_mem>> -> memref<!tpu.dma_semaphore, #tpu.memory_space<semaphore_mem>>
    %dma_wait3A_556 = arith.constant 0 : i32
    %dma_wait3A_557 = tpu.memref_slice %arg2[%dma_wait3A_556, %mul3A_550] : memref<32x1000000xf32, #tpu.memory_space<hbm>> -> memref<32x1664xf32, #tpu.memory_space<hbm>>
    tpu.wait_dma2 semaphore(%dma_wait3A_555 : memref<!tpu.dma_semaphore, #tpu.memory_space<semaphore_mem>>) src(%dma_wait3A_557 : memref<32x1664xf32, #tpu.memory_space<hbm>>) dst(%arg4 : memref<32x1664xf32, #tpu.memory_space<vmem>>)
    %mul3A_558 = arith.constant 15 : i32
    %mul3A_559 = arith.muli %add3A, %mul3A_558 : i32
    %add3A_560 = arith.constant 10 : i32
    %add3A_561 = arith.addi %mul3A_559, %add3A_560 : i32
    %mul3A_562 = arith.constant 1664 : i32
    %mul3A_563 = arith.muli %add3A_561, %mul3A_562 : i32
    %dma_start3A_564 = arith.constant 0 : i32
    %dma_start3A_565 = arith.constant 0 : i32
    %dma_start3A_566 = tpu.memref_slice %arg3[%dma_start3A_565, %mul3A_563] : memref<32x1000000xf32, #tpu.memory_space<hbm>> -> memref<32x1664xf32, #tpu.memory_space<hbm>>
    %dma_start3A_567 = tpu.memref_slice %arg7[%dma_start3A_564] : memref<2x!tpu.dma_semaphore, #tpu.memory_space<semaphore_mem>> -> memref<1x!tpu.dma_semaphore, #tpu.memory_space<semaphore_mem>>
    %dma_start3A_568 = tpu.memref_squeeze %dma_start3A_567 : memref<1x!tpu.dma_semaphore, #tpu.memory_space<semaphore_mem>> -> memref<!tpu.dma_semaphore, #tpu.memory_space<semaphore_mem>>
    %dma_start3A_569 = arith.constant 0 : i32
    %dma_start3A_570 = tpu.memref_slice %arg3[%dma_start3A_569, %mul3A_563] : memref<32x1000000xf32, #tpu.memory_space<hbm>> -> memref<32x1664xf32, #tpu.memory_space<hbm>>
    tpu.enqueue_dma source(%arg4 : memref<32x1664xf32, #tpu.memory_space<vmem>>) target(%dma_start3A_570 : memref<32x1664xf32, #tpu.memory_space<hbm>>) target_semaphore(%dma_start3A_568 : memref<!tpu.dma_semaphore, #tpu.memory_space<semaphore_mem>>)
    %mul3A_571 = arith.constant 15 : i32
    %mul3A_572 = arith.muli %add3A, %mul3A_571 : i32
    %add3A_573 = arith.constant 10 : i32
    %add3A_574 = arith.addi %mul3A_572, %add3A_573 : i32
    %mul3A_575 = arith.constant 1664 : i32
    %mul3A_576 = arith.muli %add3A_574, %mul3A_575 : i32
    %dma_wait3A_577 = arith.constant 0 : i32
    %dma_wait3A_578 = arith.constant 0 : i32
    %dma_wait3A_579 = tpu.memref_slice %arg3[%dma_wait3A_578, %mul3A_576] : memref<32x1000000xf32, #tpu.memory_space<hbm>> -> memref<32x1664xf32, #tpu.memory_space<hbm>>
    %dma_wait3A_580 = tpu.memref_slice %arg7[%dma_wait3A_577] : memref<2x!tpu.dma_semaphore, #tpu.memory_space<semaphore_mem>> -> memref<1x!tpu.dma_semaphore, #tpu.memory_space<semaphore_mem>>
    %dma_wait3A_581 = tpu.memref_squeeze %dma_wait3A_580 : memref<1x!tpu.dma_semaphore, #tpu.memory_space<semaphore_mem>> -> memref<!tpu.dma_semaphore, #tpu.memory_space<semaphore_mem>>
    %dma_wait3A_582 = arith.constant 0 : i32
    %dma_wait3A_583 = tpu.memref_slice %arg3[%dma_wait3A_582, %mul3A_576] : memref<32x1000000xf32, #tpu.memory_space<hbm>> -> memref<32x1664xf32, #tpu.memory_space<hbm>>
    tpu.wait_dma2 semaphore(%dma_wait3A_581 : memref<!tpu.dma_semaphore, #tpu.memory_space<semaphore_mem>>) src(%arg4 : memref<32x1664xf32, #tpu.memory_space<vmem>>) dst(%dma_wait3A_583 : memref<32x1664xf32, #tpu.memory_space<hbm>>)
    %mul3A_584 = arith.constant 15 : i32
    %mul3A_585 = arith.muli %add3A, %mul3A_584 : i32
    %add3A_586 = arith.constant 12 : i32
    %add3A_587 = arith.addi %mul3A_585, %add3A_586 : i32
    %mul3A_588 = arith.constant 1664 : i32
    %mul3A_589 = arith.muli %add3A_587, %mul3A_588 : i32
    %dma_start3A_590 = arith.constant 0 : i32
    %dma_start3A_591 = arith.constant 0 : i32
    %dma_start3A_592 = tpu.memref_slice %arg2[%dma_start3A_591, %mul3A_589] : memref<32x1000000xf32, #tpu.memory_space<hbm>> -> memref<32x1664xf32, #tpu.memory_space<hbm>>
    %dma_start3A_593 = tpu.memref_slice %arg6[%dma_start3A_590] : memref<2x!tpu.dma_semaphore, #tpu.memory_space<semaphore_mem>> -> memref<1x!tpu.dma_semaphore, #tpu.memory_space<semaphore_mem>>
    %dma_start3A_594 = tpu.memref_squeeze %dma_start3A_593 : memref<1x!tpu.dma_semaphore, #tpu.memory_space<semaphore_mem>> -> memref<!tpu.dma_semaphore, #tpu.memory_space<semaphore_mem>>
    %dma_start3A_595 = arith.constant 0 : i32
    %dma_start3A_596 = tpu.memref_slice %arg2[%dma_start3A_595, %mul3A_589] : memref<32x1000000xf32, #tpu.memory_space<hbm>> -> memref<32x1664xf32, #tpu.memory_space<hbm>>
    tpu.enqueue_dma source(%dma_start3A_596 : memref<32x1664xf32, #tpu.memory_space<hbm>>) target(%arg4 : memref<32x1664xf32, #tpu.memory_space<vmem>>) target_semaphore(%dma_start3A_594 : memref<!tpu.dma_semaphore, #tpu.memory_space<semaphore_mem>>)
    %mul3A_597 = arith.constant 15 : i32
    %mul3A_598 = arith.muli %add3A, %mul3A_597 : i32
    %add3A_599 = arith.constant 11 : i32
    %add3A_600 = arith.addi %mul3A_598, %add3A_599 : i32
    %mul3A_601 = arith.constant 1664 : i32
    %mul3A_602 = arith.muli %add3A_600, %mul3A_601 : i32
    %dma_wait3A_603 = arith.constant 1 : i32
    %dma_wait3A_604 = arith.constant 0 : i32
    %dma_wait3A_605 = tpu.memref_slice %arg2[%dma_wait3A_604, %mul3A_602] : memref<32x1000000xf32, #tpu.memory_space<hbm>> -> memref<32x1664xf32, #tpu.memory_space<hbm>>
    %dma_wait3A_606 = tpu.memref_slice %arg6[%dma_wait3A_603] : memref<2x!tpu.dma_semaphore, #tpu.memory_space<semaphore_mem>> -> memref<1x!tpu.dma_semaphore, #tpu.memory_space<semaphore_mem>>
    %dma_wait3A_607 = tpu.memref_squeeze %dma_wait3A_606 : memref<1x!tpu.dma_semaphore, #tpu.memory_space<semaphore_mem>> -> memref<!tpu.dma_semaphore, #tpu.memory_space<semaphore_mem>>
    %dma_wait3A_608 = arith.constant 0 : i32
    %dma_wait3A_609 = tpu.memref_slice %arg2[%dma_wait3A_608, %mul3A_602] : memref<32x1000000xf32, #tpu.memory_space<hbm>> -> memref<32x1664xf32, #tpu.memory_space<hbm>>
    tpu.wait_dma2 semaphore(%dma_wait3A_607 : memref<!tpu.dma_semaphore, #tpu.memory_space<semaphore_mem>>) src(%dma_wait3A_609 : memref<32x1664xf32, #tpu.memory_space<hbm>>) dst(%arg5 : memref<32x1664xf32, #tpu.memory_space<vmem>>)
    %mul3A_610 = arith.constant 15 : i32
    %mul3A_611 = arith.muli %add3A, %mul3A_610 : i32
    %add3A_612 = arith.constant 11 : i32
    %add3A_613 = arith.addi %mul3A_611, %add3A_612 : i32
    %mul3A_614 = arith.constant 1664 : i32
    %mul3A_615 = arith.muli %add3A_613, %mul3A_614 : i32
    %dma_start3A_616 = arith.constant 1 : i32
    %dma_start3A_617 = arith.constant 0 : i32
    %dma_start3A_618 = tpu.memref_slice %arg3[%dma_start3A_617, %mul3A_615] : memref<32x1000000xf32, #tpu.memory_space<hbm>> -> memref<32x1664xf32, #tpu.memory_space<hbm>>
    %dma_start3A_619 = tpu.memref_slice %arg7[%dma_start3A_616] : memref<2x!tpu.dma_semaphore, #tpu.memory_space<semaphore_mem>> -> memref<1x!tpu.dma_semaphore, #tpu.memory_space<semaphore_mem>>
    %dma_start3A_620 = tpu.memref_squeeze %dma_start3A_619 : memref<1x!tpu.dma_semaphore, #tpu.memory_space<semaphore_mem>> -> memref<!tpu.dma_semaphore, #tpu.memory_space<semaphore_mem>>
    %dma_start3A_621 = arith.constant 0 : i32
    %dma_start3A_622 = tpu.memref_slice %arg3[%dma_start3A_621, %mul3A_615] : memref<32x1000000xf32, #tpu.memory_space<hbm>> -> memref<32x1664xf32, #tpu.memory_space<hbm>>
    tpu.enqueue_dma source(%arg5 : memref<32x1664xf32, #tpu.memory_space<vmem>>) target(%dma_start3A_622 : memref<32x1664xf32, #tpu.memory_space<hbm>>) target_semaphore(%dma_start3A_620 : memref<!tpu.dma_semaphore, #tpu.memory_space<semaphore_mem>>)
    %mul3A_623 = arith.constant 15 : i32
    %mul3A_624 = arith.muli %add3A, %mul3A_623 : i32
    %add3A_625 = arith.constant 11 : i32
    %add3A_626 = arith.addi %mul3A_624, %add3A_625 : i32
    %mul3A_627 = arith.constant 1664 : i32
    %mul3A_628 = arith.muli %add3A_626, %mul3A_627 : i32
    %dma_wait3A_629 = arith.constant 1 : i32
    %dma_wait3A_630 = arith.constant 0 : i32
    %dma_wait3A_631 = tpu.memref_slice %arg3[%dma_wait3A_630, %mul3A_628] : memref<32x1000000xf32, #tpu.memory_space<hbm>> -> memref<32x1664xf32, #tpu.memory_space<hbm>>
    %dma_wait3A_632 = tpu.memref_slice %arg7[%dma_wait3A_629] : memref<2x!tpu.dma_semaphore, #tpu.memory_space<semaphore_mem>> -> memref<1x!tpu.dma_semaphore, #tpu.memory_space<semaphore_mem>>
    %dma_wait3A_633 = tpu.memref_squeeze %dma_wait3A_632 : memref<1x!tpu.dma_semaphore, #tpu.memory_space<semaphore_mem>> -> memref<!tpu.dma_semaphore, #tpu.memory_space<semaphore_mem>>
    %dma_wait3A_634 = arith.constant 0 : i32
    %dma_wait3A_635 = tpu.memref_slice %arg3[%dma_wait3A_634, %mul3A_628] : memref<32x1000000xf32, #tpu.memory_space<hbm>> -> memref<32x1664xf32, #tpu.memory_space<hbm>>
    tpu.wait_dma2 semaphore(%dma_wait3A_633 : memref<!tpu.dma_semaphore, #tpu.memory_space<semaphore_mem>>) src(%arg5 : memref<32x1664xf32, #tpu.memory_space<vmem>>) dst(%dma_wait3A_635 : memref<32x1664xf32, #tpu.memory_space<hbm>>)
    %mul3A_636 = arith.constant 15 : i32
    %mul3A_637 = arith.muli %add3A, %mul3A_636 : i32
    %add3A_638 = arith.constant 13 : i32
    %add3A_639 = arith.addi %mul3A_637, %add3A_638 : i32
    %mul3A_640 = arith.constant 1664 : i32
    %mul3A_641 = arith.muli %add3A_639, %mul3A_640 : i32
    %dma_start3A_642 = arith.constant 1 : i32
    %dma_start3A_643 = arith.constant 0 : i32
    %dma_start3A_644 = tpu.memref_slice %arg2[%dma_start3A_643, %mul3A_641] : memref<32x1000000xf32, #tpu.memory_space<hbm>> -> memref<32x1664xf32, #tpu.memory_space<hbm>>
    %dma_start3A_645 = tpu.memref_slice %arg6[%dma_start3A_642] : memref<2x!tpu.dma_semaphore, #tpu.memory_space<semaphore_mem>> -> memref<1x!tpu.dma_semaphore, #tpu.memory_space<semaphore_mem>>
    %dma_start3A_646 = tpu.memref_squeeze %dma_start3A_645 : memref<1x!tpu.dma_semaphore, #tpu.memory_space<semaphore_mem>> -> memref<!tpu.dma_semaphore, #tpu.memory_space<semaphore_mem>>
    %dma_start3A_647 = arith.constant 0 : i32
    %dma_start3A_648 = tpu.memref_slice %arg2[%dma_start3A_647, %mul3A_641] : memref<32x1000000xf32, #tpu.memory_space<hbm>> -> memref<32x1664xf32, #tpu.memory_space<hbm>>
    tpu.enqueue_dma source(%dma_start3A_648 : memref<32x1664xf32, #tpu.memory_space<hbm>>) target(%arg5 : memref<32x1664xf32, #tpu.memory_space<vmem>>) target_semaphore(%dma_start3A_646 : memref<!tpu.dma_semaphore, #tpu.memory_space<semaphore_mem>>)
    %mul3A_649 = arith.constant 15 : i32
    %mul3A_650 = arith.muli %add3A, %mul3A_649 : i32
    %add3A_651 = arith.constant 12 : i32
    %add3A_652 = arith.addi %mul3A_650, %add3A_651 : i32
    %mul3A_653 = arith.constant 1664 : i32
    %mul3A_654 = arith.muli %add3A_652, %mul3A_653 : i32
    %dma_wait3A_655 = arith.constant 0 : i32
    %dma_wait3A_656 = arith.constant 0 : i32
    %dma_wait3A_657 = tpu.memref_slice %arg2[%dma_wait3A_656, %mul3A_654] : memref<32x1000000xf32, #tpu.memory_space<hbm>> -> memref<32x1664xf32, #tpu.memory_space<hbm>>
    %dma_wait3A_658 = tpu.memref_slice %arg6[%dma_wait3A_655] : memref<2x!tpu.dma_semaphore, #tpu.memory_space<semaphore_mem>> -> memref<1x!tpu.dma_semaphore, #tpu.memory_space<semaphore_mem>>
    %dma_wait3A_659 = tpu.memref_squeeze %dma_wait3A_658 : memref<1x!tpu.dma_semaphore, #tpu.memory_space<semaphore_mem>> -> memref<!tpu.dma_semaphore, #tpu.memory_space<semaphore_mem>>
    %dma_wait3A_660 = arith.constant 0 : i32
    %dma_wait3A_661 = tpu.memref_slice %arg2[%dma_wait3A_660, %mul3A_654] : memref<32x1000000xf32, #tpu.memory_space<hbm>> -> memref<32x1664xf32, #tpu.memory_space<hbm>>
    tpu.wait_dma2 semaphore(%dma_wait3A_659 : memref<!tpu.dma_semaphore, #tpu.memory_space<semaphore_mem>>) src(%dma_wait3A_661 : memref<32x1664xf32, #tpu.memory_space<hbm>>) dst(%arg4 : memref<32x1664xf32, #tpu.memory_space<vmem>>)
    %mul3A_662 = arith.constant 15 : i32
    %mul3A_663 = arith.muli %add3A, %mul3A_662 : i32
    %add3A_664 = arith.constant 12 : i32
    %add3A_665 = arith.addi %mul3A_663, %add3A_664 : i32
    %mul3A_666 = arith.constant 1664 : i32
    %mul3A_667 = arith.muli %add3A_665, %mul3A_666 : i32
    %dma_start3A_668 = arith.constant 0 : i32
    %dma_start3A_669 = arith.constant 0 : i32
    %dma_start3A_670 = tpu.memref_slice %arg3[%dma_start3A_669, %mul3A_667] : memref<32x1000000xf32, #tpu.memory_space<hbm>> -> memref<32x1664xf32, #tpu.memory_space<hbm>>
    %dma_start3A_671 = tpu.memref_slice %arg7[%dma_start3A_668] : memref<2x!tpu.dma_semaphore, #tpu.memory_space<semaphore_mem>> -> memref<1x!tpu.dma_semaphore, #tpu.memory_space<semaphore_mem>>
    %dma_start3A_672 = tpu.memref_squeeze %dma_start3A_671 : memref<1x!tpu.dma_semaphore, #tpu.memory_space<semaphore_mem>> -> memref<!tpu.dma_semaphore, #tpu.memory_space<semaphore_mem>>
    %dma_start3A_673 = arith.constant 0 : i32
    %dma_start3A_674 = tpu.memref_slice %arg3[%dma_start3A_673, %mul3A_667] : memref<32x1000000xf32, #tpu.memory_space<hbm>> -> memref<32x1664xf32, #tpu.memory_space<hbm>>
    tpu.enqueue_dma source(%arg4 : memref<32x1664xf32, #tpu.memory_space<vmem>>) target(%dma_start3A_674 : memref<32x1664xf32, #tpu.memory_space<hbm>>) target_semaphore(%dma_start3A_672 : memref<!tpu.dma_semaphore, #tpu.memory_space<semaphore_mem>>)
    %mul3A_675 = arith.constant 15 : i32
    %mul3A_676 = arith.muli %add3A, %mul3A_675 : i32
    %add3A_677 = arith.constant 12 : i32
    %add3A_678 = arith.addi %mul3A_676, %add3A_677 : i32
    %mul3A_679 = arith.constant 1664 : i32
    %mul3A_680 = arith.muli %add3A_678, %mul3A_679 : i32
    %dma_wait3A_681 = arith.constant 0 : i32
    %dma_wait3A_682 = arith.constant 0 : i32
    %dma_wait3A_683 = tpu.memref_slice %arg3[%dma_wait3A_682, %mul3A_680] : memref<32x1000000xf32, #tpu.memory_space<hbm>> -> memref<32x1664xf32, #tpu.memory_space<hbm>>
    %dma_wait3A_684 = tpu.memref_slice %arg7[%dma_wait3A_681] : memref<2x!tpu.dma_semaphore, #tpu.memory_space<semaphore_mem>> -> memref<1x!tpu.dma_semaphore, #tpu.memory_space<semaphore_mem>>
    %dma_wait3A_685 = tpu.memref_squeeze %dma_wait3A_684 : memref<1x!tpu.dma_semaphore, #tpu.memory_space<semaphore_mem>> -> memref<!tpu.dma_semaphore, #tpu.memory_space<semaphore_mem>>
    %dma_wait3A_686 = arith.constant 0 : i32
    %dma_wait3A_687 = tpu.memref_slice %arg3[%dma_wait3A_686, %mul3A_680] : memref<32x1000000xf32, #tpu.memory_space<hbm>> -> memref<32x1664xf32, #tpu.memory_space<hbm>>
    tpu.wait_dma2 semaphore(%dma_wait3A_685 : memref<!tpu.dma_semaphore, #tpu.memory_space<semaphore_mem>>) src(%arg4 : memref<32x1664xf32, #tpu.memory_space<vmem>>) dst(%dma_wait3A_687 : memref<32x1664xf32, #tpu.memory_space<hbm>>)
    %mul3A_688 = arith.constant 15 : i32
    %mul3A_689 = arith.muli %add3A, %mul3A_688 : i32
    %add3A_690 = arith.constant 14 : i32
    %add3A_691 = arith.addi %mul3A_689, %add3A_690 : i32
    %mul3A_692 = arith.constant 1664 : i32
    %mul3A_693 = arith.muli %add3A_691, %mul3A_692 : i32
    %dma_start3A_694 = arith.constant 0 : i32
    %dma_start3A_695 = arith.constant 0 : i32
    %dma_start3A_696 = tpu.memref_slice %arg2[%dma_start3A_695, %mul3A_693] : memref<32x1000000xf32, #tpu.memory_space<hbm>> -> memref<32x1664xf32, #tpu.memory_space<hbm>>
    %dma_start3A_697 = tpu.memref_slice %arg6[%dma_start3A_694] : memref<2x!tpu.dma_semaphore, #tpu.memory_space<semaphore_mem>> -> memref<1x!tpu.dma_semaphore, #tpu.memory_space<semaphore_mem>>
    %dma_start3A_698 = tpu.memref_squeeze %dma_start3A_697 : memref<1x!tpu.dma_semaphore, #tpu.memory_space<semaphore_mem>> -> memref<!tpu.dma_semaphore, #tpu.memory_space<semaphore_mem>>
    %dma_start3A_699 = arith.constant 0 : i32
    %dma_start3A_700 = tpu.memref_slice %arg2[%dma_start3A_699, %mul3A_693] : memref<32x1000000xf32, #tpu.memory_space<hbm>> -> memref<32x1664xf32, #tpu.memory_space<hbm>>
    tpu.enqueue_dma source(%dma_start3A_700 : memref<32x1664xf32, #tpu.memory_space<hbm>>) target(%arg4 : memref<32x1664xf32, #tpu.memory_space<vmem>>) target_semaphore(%dma_start3A_698 : memref<!tpu.dma_semaphore, #tpu.memory_space<semaphore_mem>>)
    %mul3A_701 = arith.constant 15 : i32
    %mul3A_702 = arith.muli %add3A, %mul3A_701 : i32
    %add3A_703 = arith.constant 13 : i32
    %add3A_704 = arith.addi %mul3A_702, %add3A_703 : i32
    %mul3A_705 = arith.constant 1664 : i32
    %mul3A_706 = arith.muli %add3A_704, %mul3A_705 : i32
    %dma_wait3A_707 = arith.constant 1 : i32
    %dma_wait3A_708 = arith.constant 0 : i32
    %dma_wait3A_709 = tpu.memref_slice %arg2[%dma_wait3A_708, %mul3A_706] : memref<32x1000000xf32, #tpu.memory_space<hbm>> -> memref<32x1664xf32, #tpu.memory_space<hbm>>
    %dma_wait3A_710 = tpu.memref_slice %arg6[%dma_wait3A_707] : memref<2x!tpu.dma_semaphore, #tpu.memory_space<semaphore_mem>> -> memref<1x!tpu.dma_semaphore, #tpu.memory_space<semaphore_mem>>
    %dma_wait3A_711 = tpu.memref_squeeze %dma_wait3A_710 : memref<1x!tpu.dma_semaphore, #tpu.memory_space<semaphore_mem>> -> memref<!tpu.dma_semaphore, #tpu.memory_space<semaphore_mem>>
    %dma_wait3A_712 = arith.constant 0 : i32
    %dma_wait3A_713 = tpu.memref_slice %arg2[%dma_wait3A_712, %mul3A_706] : memref<32x1000000xf32, #tpu.memory_space<hbm>> -> memref<32x1664xf32, #tpu.memory_space<hbm>>
    tpu.wait_dma2 semaphore(%dma_wait3A_711 : memref<!tpu.dma_semaphore, #tpu.memory_space<semaphore_mem>>) src(%dma_wait3A_713 : memref<32x1664xf32, #tpu.memory_space<hbm>>) dst(%arg5 : memref<32x1664xf32, #tpu.memory_space<vmem>>)
    %mul3A_714 = arith.constant 15 : i32
    %mul3A_715 = arith.muli %add3A, %mul3A_714 : i32
    %add3A_716 = arith.constant 13 : i32
    %add3A_717 = arith.addi %mul3A_715, %add3A_716 : i32
    %mul3A_718 = arith.constant 1664 : i32
    %mul3A_719 = arith.muli %add3A_717, %mul3A_718 : i32
    %dma_start3A_720 = arith.constant 1 : i32
    %dma_start3A_721 = arith.constant 0 : i32
    %dma_start3A_722 = tpu.memref_slice %arg3[%dma_start3A_721, %mul3A_719] : memref<32x1000000xf32, #tpu.memory_space<hbm>> -> memref<32x1664xf32, #tpu.memory_space<hbm>>
    %dma_start3A_723 = tpu.memref_slice %arg7[%dma_start3A_720] : memref<2x!tpu.dma_semaphore, #tpu.memory_space<semaphore_mem>> -> memref<1x!tpu.dma_semaphore, #tpu.memory_space<semaphore_mem>>
    %dma_start3A_724 = tpu.memref_squeeze %dma_start3A_723 : memref<1x!tpu.dma_semaphore, #tpu.memory_space<semaphore_mem>> -> memref<!tpu.dma_semaphore, #tpu.memory_space<semaphore_mem>>
    %dma_start3A_725 = arith.constant 0 : i32
    %dma_start3A_726 = tpu.memref_slice %arg3[%dma_start3A_725, %mul3A_719] : memref<32x1000000xf32, #tpu.memory_space<hbm>> -> memref<32x1664xf32, #tpu.memory_space<hbm>>
    tpu.enqueue_dma source(%arg5 : memref<32x1664xf32, #tpu.memory_space<vmem>>) target(%dma_start3A_726 : memref<32x1664xf32, #tpu.memory_space<hbm>>) target_semaphore(%dma_start3A_724 : memref<!tpu.dma_semaphore, #tpu.memory_space<semaphore_mem>>)
    %mul3A_727 = arith.constant 15 : i32
    %mul3A_728 = arith.muli %add3A, %mul3A_727 : i32
    %add3A_729 = arith.constant 14 : i32
    %add3A_730 = arith.addi %mul3A_728, %add3A_729 : i32
    %mul3A_731 = arith.constant 1664 : i32
    %mul3A_732 = arith.muli %add3A_730, %mul3A_731 : i32
    %dma_wait3A_733 = arith.constant 0 : i32
    %dma_wait3A_734 = arith.constant 0 : i32
    %dma_wait3A_735 = tpu.memref_slice %arg2[%dma_wait3A_734, %mul3A_732] : memref<32x1000000xf32, #tpu.memory_space<hbm>> -> memref<32x1664xf32, #tpu.memory_space<hbm>>
    %dma_wait3A_736 = tpu.memref_slice %arg6[%dma_wait3A_733] : memref<2x!tpu.dma_semaphore, #tpu.memory_space<semaphore_mem>> -> memref<1x!tpu.dma_semaphore, #tpu.memory_space<semaphore_mem>>
    %dma_wait3A_737 = tpu.memref_squeeze %dma_wait3A_736 : memref<1x!tpu.dma_semaphore, #tpu.memory_space<semaphore_mem>> -> memref<!tpu.dma_semaphore, #tpu.memory_space<semaphore_mem>>
    %dma_wait3A_738 = arith.constant 0 : i32
    %dma_wait3A_739 = tpu.memref_slice %arg2[%dma_wait3A_738, %mul3A_732] : memref<32x1000000xf32, #tpu.memory_space<hbm>> -> memref<32x1664xf32, #tpu.memory_space<hbm>>
    tpu.wait_dma2 semaphore(%dma_wait3A_737 : memref<!tpu.dma_semaphore, #tpu.memory_space<semaphore_mem>>) src(%dma_wait3A_739 : memref<32x1664xf32, #tpu.memory_space<hbm>>) dst(%arg4 : memref<32x1664xf32, #tpu.memory_space<vmem>>)
    %mul3A_740 = arith.constant 15 : i32
    %mul3A_741 = arith.muli %add3A, %mul3A_740 : i32
    %add3A_742 = arith.constant 14 : i32
    %add3A_743 = arith.addi %mul3A_741, %add3A_742 : i32
    %mul3A_744 = arith.constant 1664 : i32
    %mul3A_745 = arith.muli %add3A_743, %mul3A_744 : i32
    %dma_start3A_746 = arith.constant 0 : i32
    %dma_start3A_747 = arith.constant 0 : i32
    %dma_start3A_748 = tpu.memref_slice %arg3[%dma_start3A_747, %mul3A_745] : memref<32x1000000xf32, #tpu.memory_space<hbm>> -> memref<32x1664xf32, #tpu.memory_space<hbm>>
    %dma_start3A_749 = tpu.memref_slice %arg7[%dma_start3A_746] : memref<2x!tpu.dma_semaphore, #tpu.memory_space<semaphore_mem>> -> memref<1x!tpu.dma_semaphore, #tpu.memory_space<semaphore_mem>>
    %dma_start3A_750 = tpu.memref_squeeze %dma_start3A_749 : memref<1x!tpu.dma_semaphore, #tpu.memory_space<semaphore_mem>> -> memref<!tpu.dma_semaphore, #tpu.memory_space<semaphore_mem>>
    %dma_start3A_751 = arith.constant 0 : i32
    %dma_start3A_752 = tpu.memref_slice %arg3[%dma_start3A_751, %mul3A_745] : memref<32x1000000xf32, #tpu.memory_space<hbm>> -> memref<32x1664xf32, #tpu.memory_space<hbm>>
    tpu.enqueue_dma source(%arg4 : memref<32x1664xf32, #tpu.memory_space<vmem>>) target(%dma_start3A_752 : memref<32x1664xf32, #tpu.memory_space<hbm>>) target_semaphore(%dma_start3A_750 : memref<!tpu.dma_semaphore, #tpu.memory_space<semaphore_mem>>)
    %mul3A_753 = arith.constant 15 : i32
    %mul3A_754 = arith.muli %add3A, %mul3A_753 : i32
    %add3A_755 = arith.constant 13 : i32
    %add3A_756 = arith.addi %mul3A_754, %add3A_755 : i32
    %mul3A_757 = arith.constant 1664 : i32
    %mul3A_758 = arith.muli %add3A_756, %mul3A_757 : i32
    %dma_wait3A_759 = arith.constant 1 : i32
    %dma_wait3A_760 = arith.constant 0 : i32
    %dma_wait3A_761 = tpu.memref_slice %arg3[%dma_wait3A_760, %mul3A_758] : memref<32x1000000xf32, #tpu.memory_space<hbm>> -> memref<32x1664xf32, #tpu.memory_space<hbm>>
    %dma_wait3A_762 = tpu.memref_slice %arg7[%dma_wait3A_759] : memref<2x!tpu.dma_semaphore, #tpu.memory_space<semaphore_mem>> -> memref<1x!tpu.dma_semaphore, #tpu.memory_space<semaphore_mem>>
    %dma_wait3A_763 = tpu.memref_squeeze %dma_wait3A_762 : memref<1x!tpu.dma_semaphore, #tpu.memory_space<semaphore_mem>> -> memref<!tpu.dma_semaphore, #tpu.memory_space<semaphore_mem>>
    %dma_wait3A_764 = arith.constant 0 : i32
    %dma_wait3A_765 = tpu.memref_slice %arg3[%dma_wait3A_764, %mul3A_758] : memref<32x1000000xf32, #tpu.memory_space<hbm>> -> memref<32x1664xf32, #tpu.memory_space<hbm>>
    tpu.wait_dma2 semaphore(%dma_wait3A_763 : memref<!tpu.dma_semaphore, #tpu.memory_space<semaphore_mem>>) src(%arg5 : memref<32x1664xf32, #tpu.memory_space<vmem>>) dst(%dma_wait3A_765 : memref<32x1664xf32, #tpu.memory_space<hbm>>)
    %mul3A_766 = arith.constant 15 : i32
    %mul3A_767 = arith.muli %add3A, %mul3A_766 : i32
    %add3A_768 = arith.constant 14 : i32
    %add3A_769 = arith.addi %mul3A_767, %add3A_768 : i32
    %mul3A_770 = arith.constant 1664 : i32
    %mul3A_771 = arith.muli %add3A_769, %mul3A_770 : i32
    %dma_wait3A_772 = arith.constant 0 : i32
    %dma_wait3A_773 = arith.constant 0 : i32
    %dma_wait3A_774 = tpu.memref_slice %arg3[%dma_wait3A_773, %mul3A_771] : memref<32x1000000xf32, #tpu.memory_space<hbm>> -> memref<32x1664xf32, #tpu.memory_space<hbm>>
    %dma_wait3A_775 = tpu.memref_slice %arg7[%dma_wait3A_772] : memref<2x!tpu.dma_semaphore, #tpu.memory_space<semaphore_mem>> -> memref<1x!tpu.dma_semaphore, #tpu.memory_space<semaphore_mem>>
    %dma_wait3A_776 = tpu.memref_squeeze %dma_wait3A_775 : memref<1x!tpu.dma_semaphore, #tpu.memory_space<semaphore_mem>> -> memref<!tpu.dma_semaphore, #tpu.memory_space<semaphore_mem>>
    %dma_wait3A_777 = arith.constant 0 : i32
    %dma_wait3A_778 = tpu.memref_slice %arg3[%dma_wait3A_777, %mul3A_771] : memref<32x1000000xf32, #tpu.memory_space<hbm>> -> memref<32x1664xf32, #tpu.memory_space<hbm>>
    tpu.wait_dma2 semaphore(%dma_wait3A_776 : memref<!tpu.dma_semaphore, #tpu.memory_space<semaphore_mem>>) src(%arg4 : memref<32x1664xf32, #tpu.memory_space<vmem>>) dst(%dma_wait3A_778 : memref<32x1664xf32, #tpu.memory_space<hbm>>)
    return
  }
}

module attributes {stable_mosaic.version = 14 : i64} {
  func.func @_tc_copy_body(%arg0: i32, %arg1: memref<32x4096xf32, #tpu.memory_space<vmem>>, %arg2: memref<32x4096xf32, #tpu.memory_space<vmem>>) attributes {dimension_semantics = [#tpu.dimension_semantics<arbitrary>], iteration_bounds = array<i64: 245>, scalar_prefetch = 0 : i64, scratch_operands = 0 : i64, tpu.core_type = #tpu.core_type<tc>, window_params = [{transform_indices = @transform_0, window_bounds = array<i64: 32, 4096>}, {transform_indices = @transform_1, window_bounds = array<i64: 32, 4096>}]} {
    %get3A = arith.constant 0 : index
    %get3A_0 = arith.constant 0 : index
    %get3A_1 = vector.load %arg1[%get3A, %get3A_0] : memref<32x4096xf32, #tpu.memory_space<vmem>>, vector<32x4096xf32>
    %swap3A = arith.constant 0 : index
    %swap3A_2 = arith.constant 0 : index
    %swap3A_3 = vector.load %arg2[%swap3A, %swap3A_2] : memref<32x4096xf32, #tpu.memory_space<vmem>>, vector<32x4096xf32>
    tpu.vector_store %arg2[%swap3A, %swap3A_2], %get3A_1 {strides = array<i32>} : memref<32x4096xf32, #tpu.memory_space<vmem>>, vector<32x4096xf32>,
    return
  }
  func.func @transform_0(%arg0: i32) -> (i32, i32) {
    %c0_i32 = arith.constant 0 : i32
    %c0_i32_0 = arith.constant 0 : i32
    return %c0_i32, %arg0 : i32, i32
  }
  func.func @transform_1(%arg0: i32) -> (i32, i32) {
    %c0_i32 = arith.constant 0 : i32
    %c0_i32_0 = arith.constant 0 : i32
    return %c0_i32, %arg0 : i32, i32
  }
}

module attributes {stable_mosaic.version = 14 : i64} {
  func.func @body(%arg0: i32, %arg1: memref<32x1000000xf32, #tpu.memory_space<any>>, %arg2: memref<32x4096xf32, #tpu.memory_space<vmem>>, %arg3: memref<32x4096xf32, #tpu.memory_space<vmem>>) attributes {dimension_semantics = [#tpu.dimension_semantics<arbitrary>], iteration_bounds = array<i64: 50>, scalar_prefetch = 0 : i64, scratch_operands = 0 : i64, tpu.core_type = #tpu.core_type<tc>, window_params = [{}, {transform_indices = @transform_1, window_bounds = array<i64: 32, 4096>}, {transform_indices = @transform_2, window_bounds = array<i64: 32, 4096>}]} {
    %get3A = arith.constant 0 : index
    %get3A_0 = arith.constant 0 : index
    %get3A_1 = vector.load %arg2[%get3A, %get3A_0] : memref<32x4096xf32, #tpu.memory_space<vmem>>, vector<32x4096xf32>
    %swap3A = arith.constant 0 : index
    %swap3A_2 = arith.constant 0 : index
    %swap3A_3 = vector.load %arg3[%swap3A, %swap3A_2] : memref<32x4096xf32, #tpu.memory_space<vmem>>, vector<32x4096xf32>
    tpu.vector_store %arg3[%swap3A, %swap3A_2], %get3A_1 {strides = array<i32>} : memref<32x4096xf32, #tpu.memory_space<vmem>>, vector<32x4096xf32>,
    return
  }
  func.func @transform_1(%arg0: i32) -> (i32, i32) {
    %add3A = arith.constant 195 : i32
    %add3A_0 = arith.addi %add3A, %arg0 : i32
    %c0_i32 = arith.constant 0 : i32
    %c0_i32_1 = arith.constant 0 : i32
    return %c0_i32, %add3A_0 : i32, i32
  }
  func.func @transform_2(%arg0: i32) -> (i32, i32) {
    %add3A = arith.constant 195 : i32
    %add3A_0 = arith.addi %add3A, %arg0 : i32
    %c0_i32 = arith.constant 0 : i32
    %c0_i32_1 = arith.constant 0 : i32
    return %c0_i32, %add3A_0 : i32, i32
  }
}

</mosaic_0001>

<sc_bundles>
// kernel: kernel.5.cloned.1.call-start
scs
__scs_entry_jumppad:
0x0: {  	(pc) =	sbr.rel $0x88, $3  }
0x1: {  	(tag) =	ssettag $0x0;
	lr =	simm.s32 $0x1  }
0x2: {  	[smem:$0x3F9F] =	sst lr;
	_ =	strace $0xD0000000  }
0x3: {  	_ = 	snop  }
0x4: {  	_ = 	snop  }
0x5: {  	_ = 	snop  }
0x6: {  	_ = 	snop  }
0x7: {  	_ = 	snop  }
__scs_overlays_trampoline_lowered:
0x8: {  	[smem:$0x3FAE] =	sst s0  }
0x9: {  	[smem:$0x3FAF] =	sst s1  }
0xa: {  	[smem:$0x3FB0] =	sst s2  }
0xb: {  	[smem:$0x3FB1] =	sst s3  }
0xc: {  	[smem:$0x3FB2] =	sst s4  }
0xd: {  	[smem:$0x3FB3] =	sst s5  }
0xe: {  	[smem:$0x3FB4] =	sst s6  }
0xf: {  	[smem:$0x3FB5] =	sst s7  }
0x10: {  	[smem:$0x3FB6] =	sst s8  }
0x11: {  	[smem:$0x3FB7] =	sst s9;
	s0 =	simm.s32 @!p0 $0x0  }
0x12: {  	s1 =	sld [smem:$0x3F9D];
	s0 =	simm.s32 @p0 $0x1  }
0x13: {  	[smem:$0x3FB8] =	sst s0;
	s0 =	simm.s32 @!p1 $0x0  }
0x14: {  	s2 =	sld [smem:$0x3F9C];
	s0 =	simm.s32 @p1 $0x1  }
0x15: {  	[smem:$0x3FB9] =	sst s0;
	s0 =	simm.s32 @!p2 $0x0  }
0x16: {  	s3 =	sld [smem:$0x3FDB];
	s0 =	simm.s32 @p2 $0x1  }
0x17: {  	s4 =	simm.s32 $0x1BF5;
	[smem:$0x3FBB] =	sst s0  }
0x18: {  	s0 =	sld [smem:$0x3F9E];
	_ =	swait.ge [sflag:s4], $0x0  }
0x19: {  	s7 =	sld [smem:$0x3F9F]  }
0x1a: {  	s8 =	sadd.s32 $0xFFFFE003, lr  }
0x1b: {  	s9 =	sadd.s32 $0xFFFFFEF7, lr;
	s5 =	simm.s32 $0xFFFFFFFF;
	p2 =	slt.u32 s8, $0xFFFFF086  }
0x1c: {  	p1 =	slt.u32 s9, $0xF7A;
	s5 =	simm.s32 @!p2 $0x0  }
0x1d: {  	s5 =	simm.s32 @p1 $0x1;
	p0 =	seq.s32 s7, s2  }
0x1e: {  	s7 =	smul.u32 @!p0 $0xF7A, s2;
	p2 =	seq.s32 @!p0 s5, $0x0  }
0x1f: {  	s9 =	smul.u32 $0xF7A, s1;
	s8 =	simm.s32 @!p0 $0x1BF5;
	p2 =	por !p2, p0  }
0x20: {  	[sflag:s8] =	ssyncset.s32 @!p0 $0xFFFFF086;
	s6 =	sadd.s32 @!p0 s3, s7;
	s7 =	simm.s32 @!p0 $0x108  }
0x21: {  	s3 =	sadd.s32 s3, s9;
	s6 =	sadd.s32 @!p0 $0x88, s6;
	s7 =	simm.s32 @p2 $0x1082  }
0x22: {  	[simem:s7], [sflag:s8] =	dma.local @!p0 [hbm:s6], $0xF7A  }
0x23: {  	s9 =	sor.u32 $0xD0000000, s2;
	s6 =	simm.s32 $0x108;
	_ =	swait.ge @!p0 [sflag:s8], $0x0  }
0x24: {  	s3 =	sadd.s32 $0x88, s3;
	s6 =	simm.s32 @!p1 $0x1082;
	[sflag:s4] =	ssyncset.s32 $0xFFFFF086  }
0x25: {  	[simem:s6], [sflag:s4] =	dma.local [hbm:s3], $0xF7A  }
0x26: {  	[smem:$0x3F9F] =	sst s1;
	(tag) =	ssettag s2;
	_ =	strace s9  }
0x27: {  	s1 =	sld [smem:$0x3FAF]  }
0x28: {  	s2 =	sld [smem:$0x3FB0]  }
0x29: {  	s4 =	sld [smem:$0x3FB2]  }
0x2a: {  	p0 =	seq.s32 s5, $0x0;
	s5 =	sld [smem:$0x3FB3]  }
0x2b: {  	s6 =	sld [smem:$0x3FB4]  }
0x2c: {  	s7 =	sld [smem:$0x3FB5]  }
0x2d: {  	s3 =	simm.s32 $0x108;
	s8 =	sld [smem:$0x3FB6]  }
0x2e: {  	s3 =	simm.s32 @!p0 $0x1082;
	s9 =	sld [smem:$0x3FB7]  }
0x2f: {  	lr =	sadd.s32 s0, s3;
	s0 =	sld [smem:$0x3FAE]  }
0x30: {  	s3 =	sld [smem:$0x3FB1]  }
0x31: {  	[smem:$0x3FBA] =	sst s10  }
0x32: {  	s10 =	sld [smem:$0x3FB8];
	_ =	sdelay $0x3  }
0x33: {  	p0 =	seq.s32 s10, $0x1;
	s10 =	sld [smem:$0x3FBA];
	_ =	sdelay $0x3  }
0x34: {  	[smem:$0x3FBA] =	sst s10  }
0x35: {  	s10 =	sld [smem:$0x3FB9];
	_ =	sdelay $0x3  }
0x36: {  	p1 =	seq.s32 s10, $0x1;
	s10 =	sld [smem:$0x3FBA];
	_ =	sdelay $0x3  }
0x37: {  	[smem:$0x3FBA] =	sst s10  }
0x38: {  	s10 =	sld [smem:$0x3FBB]  }
0x39: {  	_ = 	snop;
	(pc) =	sbr.ind lr, $3  }
0x3a: {  	_ = 	snop  }
0x3b: {  	_ = 	snop  }
0x3c: {  	p2 =	seq.s32 s10, $0x1;
	s10 =	sld [smem:$0x3FBA]  }
0x3d: {  	_ =	shalt  }
0x3e: {  	_ =	shalt  }
0x3f: {  	_ =	shalt  }
0x40: {  	_ =	shalt  }
0x41: {  	_ =	shalt  }
0x42: {  	_ =	shalt  }
0x43: {  	_ =	shalt  }
0x44: {  	_ =	shalt  }
0x45: {  	_ =	shalt  }
0x46: {  	_ =	shalt  }
0x47: {  	_ =	shalt  }
0x48: {  	_ =	shalt  }
0x49: {  	_ =	shalt  }
0x4a: {  	_ =	shalt  }
0x4b: {  	_ =	shalt  }
0x4c: {  	_ =	shalt  }
0x4d: {  	_ =	shalt  }
0x4e: {  	_ =	shalt  }
0x4f: {  	_ =	shalt  }
0x50: {  	_ =	shalt  }
0x51: {  	_ =	shalt  }
0x52: {  	_ =	shalt  }
0x53: {  	_ =	shalt  }
0x54: {  	_ =	shalt  }
0x55: {  	_ =	shalt  }
0x56: {  	_ =	shalt  }
0x57: {  	_ =	shalt  }
0x58: {  	_ =	shalt  }
0x59: {  	_ =	shalt  }
0x5a: {  	_ =	shalt  }
0x5b: {  	_ =	shalt  }
0x5c: {  	_ =	shalt  }
0x5d: {  	_ =	shalt  }
0x5e: {  	_ =	shalt  }
0x5f: {  	_ =	shalt  }
0x60: {  	_ =	shalt  }
0x61: {  	_ =	shalt  }
0x62: {  	_ =	shalt  }
0x63: {  	_ =	shalt  }
0x64: {  	_ =	shalt  }
0x65: {  	_ =	shalt  }
0x66: {  	_ =	shalt  }
0x67: {  	_ =	shalt  }
0x68: {  	_ =	shalt  }
0x69: {  	_ =	shalt  }
0x6a: {  	_ =	shalt  }
0x6b: {  	_ =	shalt  }
0x6c: {  	_ =	shalt  }
0x6d: {  	_ =	shalt  }
0x6e: {  	_ =	shalt  }
0x6f: {  	_ =	shalt  }
0x70: {  	_ =	shalt  }
0x71: {  	_ =	shalt  }
0x72: {  	_ =	shalt  }
0x73: {  	_ =	shalt  }
0x74: {  	_ =	shalt  }
0x75: {  	_ =	shalt  }
0x76: {  	_ =	shalt  }
0x77: {  	_ =	shalt  }
0x78: {  	_ =	shalt  }
0x79: {  	_ =	shalt  }
0x7a: {  	_ =	shalt  }
0x7b: {  	_ =	shalt  }
0x7c: {  	_ =	shalt  }
0x7d: {  	_ =	shalt  }
0x7e: {  	_ =	shalt  }
0x7f: {  	_ =	shalt  }
0x80: {  	_ =	shalt  }
0x81: {  	_ =	shalt  }
0x82: {  	_ =	shalt  }
0x83: {  	_ =	shalt  }
0x84: {  	_ =	shalt  }
0x85: {  	_ =	shalt  }
0x86: {  	_ =	shalt  }
0x87: {  	_ =	shalt  }
.Lfunc_end0:
.L_simem_size_0:
called_computation_lowered:
.L_overlay_start_0:
0x88: {  	s2 =	sld [smem:$0x3FD9]  }
0x89: {  	s3 =	sld [smem:$0x3FFE];
	_ =	sdelay $0x1  }
0x8a: {  	s1 =	srdreg.scid  }
0x8b: {  	s0 =	sand.u32 $0x1, s1  }
0x8c: {  	s15 =	sshll.u32 s0, $0xA;
	s2 =	sadd.s32 s3, s2  }
0x8d: {  	s2 =	sadd.s32 s2, s15  }
0x8e: {  	[smem:$0x3FC6] =	sst s2  }
0x8f: {  	_ = 	snop  }
0x90: {  	s2 =	sld [smem:$0x3FD0];
	_ =	sdelay $0x2  }
0x91: {  	s4 =	simm.s32 $0xA;
	s5 =	simm.s32 $0x10;
	s16 =	sld [smem:$0x3FC8]  }
0x92: {  	[smem:s5], [sflag:s4] =	dma.local [hbm:s2], $0x1  }
0x93: {  	_ =	swait.eq [sflag:s4], $0x1  }
0x94: {  	[sflag:s4] =	ssyncset.done $0x0  }
0x95: {  	[sflag:s4] =	ssyncadd.s32 $0xFFFFFFFF  }
0x96: {  	s17 =	sld [smem:$0x11];
	(tm) =	ssettm $0x1  }
0x97: {  	s18 =	sld [smem:$0x3FFB];
	_ =	sdelay $0x3  }
0x98: {  	_ =	strace s18  }
0x99: {  	s4 =	sld [smem:$0x3FFC];
	_ =	sdelay $0x3  }
0x9a: {  	_ =	strace s4  }
0x9b: {  	s4 =	sld [smem:$0x3FFD];
	_ =	sdelay $0x3  }
0x9c: {  	_ =	strace s4  }
0x9d: {  	_ =	strace $0x8FFFFFFF  }
0x9e: {  	s19 =	sld [smem:$0x3FDB];
	_ =	sdelay $0x1  }
0x9f: {  	s20 =	simm.s32 $_scs_section_size  }
0xa0: {  	s6 =	simm.s32 $_size__tile_overlayer_lowered;
	s7 =	simm.s32 $_tile_overlayer_lowered  }
0xa1: {  	s23 =	simm.s32 $0x1BFF;
	s22 =	sshll.u32 s7, $0x1;
	s4 =	sadd.s32 s20, s19  }
0xa2: {  	s8 =	simm.s32 $0x0;
	s21 =	sshll.u32 s6, $0x1;
	s6 =	sadd.s32 s22, s4  }
0xa3: {  	[timem:s8], [sflag:s23] =	dma.local [hbm:s6], s21  }
0xa4: {  	_ =	swait.ge [sflag:s23], s21  }
0xa5: {  	s5 =	ssub.s32 $0x0, s21;
	[sflag:s23] =	ssyncset.done $0x0  }
0xa6: {  	[sflag:s23] =	ssyncadd.s32 s5;
	_ =	sdelay $0x1  }
0xa7: {  	s24 =	simm.s32 $0x1B8B  }
0xa8: {  	_ =	swait.ge [sflag:s24], $0x1  }
0xa9: {  	[sflag:s24] =	ssyncset.done $0x0  }
0xaa: {  	s25 =	simm.s32 $0x1B8E;
	[sflag:s24] =	ssyncadd.s32 $0xFFFFFFFF  }
0xab: {  	s26 =	simm.s32 $execute0_lowered;
	[smem:$0x3FD2] =	sst s25  }
0xac: {  	s5 =	sshll.u32 s26, $0x1;
	_ =	strace $0x80000046;
	[dreg:$0x1] =	wrdreg $0xFFFFFFFF  }
0xad: {  	s28 =	simm.s32 $_size_execute0_lowered;
	s4 =	sadd.s32 s4, s5;
	[dreg:$0x0] =	wrdreg $0x0  }
0xae: {  	s5 =	sshll.u32 s28, $0x1;
	[dreg:$0x2] =	wrdreg s4  }
0xaf: {  	[dreg:$0x3] =	wrdreg s5  }
0xb0: {  	[dreg:$0x4] =	wrdreg $0xC0  }
0xb1: {  	_ =	task [dreg:s8], $0x5FFFF  }
0xb2: {  	[dreg:$0x1] =	wrdreg $0xFFFFFFFF  }
0xb3: {  	[dreg:$0x0] =	wrdreg $0x60  }
0xb4: {  	[dreg:$0x2] =	wrdreg s16  }
0xb5: {  	[dreg:$0x3] =	wrdreg s17  }
0xb6: {  	[dreg:$0x4] =	wrdreg $0x9  }
0xb7: {  	_ =	task.clear_ibuf [dreg:s8], $0x5FFFF;
	_ =	strace $0x90000046  }
0xb8: {  	s29 =	simm.s32 $0x9;
	_ =	strace $0x80000048  }
0xb9: {  	_ =	swait.ge [sflag:s29], $0x1  }
0xba: {  	[sflag:s29] =	ssyncadd.s32 $0xFFFFFFFF  }
0xbb: {  	_ =	strace $0x90000048  }
0xbc: {  	_ =	sfence  }
0xbd: {  	s30 =	sld [smem:$0x0];
	_ =	sdelay $0x2  }
0xbe: {  	s31 =	sshll.u32 s1, $0xD;
	s1 =	sshrl.u32 s1, $0x2  }
0xbf: {  	s3 =	sand.u32 $0x4000, s31;
	s1 =	sadd.s32 s1, s30  }
0xc0: {  	s0 =	sor.u32 s3, s0;
	s1 =	sshll.u32 s1, $0x11  }
0xc1: {  	s0 =	sor.u32 s1, s0  }
0xc2: {  	s0 =	sadd.s32 $0x8F2B, s0  }
0xc3: {  	[sflag:s0] =	ssyncadd.remote.s32 $0x1  }
0xc4: {  	_ =	sfence.sel $0xFFFF  }
0xc5: {  	[dreg:$0x0] =	wrdreg $0xFFFFFFFF;
	(pc) =	sbr.abs _section_cstart, $3  }
0xc6: {  	[dreg:$0x1] =	wrdreg $0xFFFFFFFF  }
0xc7: {  	_ =	task.clear_ibuf [dreg:s8], $0x2FFFF;
	_ =	strace $0x9FFFFFFF  }
0xc8: {  	(tm) =	ssettm $0x7FFFFFFF  }
0xc9: {  	_ =	shalt  }
tec
execute0_lowered:
.L_overlay_start_1:
0x0: {  	(tag) =	ssettag $0x1  }
0x1: {  	s1 =	srdreg.scid;
	s0 =	stileid.u32  }
0x2: {  	s1 =	sand.u32 $0x1, s1;
	s2 =	sshll.u32 s0, $0x1  }
0x3: {  	s3 =	sor.u32 s1, s2  }
0x4: {  	s29 =	rddreg [dreg:$0x0];
	s4 =	smul.u32 $0x30C00, s3  }
0x5: {  	[dreg:$0xd] =	wrdreg s1;
	s2 =	simm.s32 $0x0;
	s3 =	smul.u32 $0x6180, s3  }
0x6: {  	[smem:$0x7FF] =	sst s2  }
0x7: {  	s31 =	rddreg [dreg:$0x1];
	_ =	strace $0x80000047;
	s12 =	sadd.s32 s29, s3  }
0x8: {  	s30 =	sshrl.u32 s4, $0x3;
	s3 =	sadd.s32 s31, s3;
	[dreg:$0x3] =	wrdreg s12  }
0x9: {  	s5 =	sadd.s32 $0x680, s30;
	[dreg:$0x5] =	wrdreg s3  }
0xa: {  	s14 =	sadd.s32 $0xD00, s30;
	s13 =	sadd.s32 s29, s5;
	s6 =	rddreg [dreg:$0x3]  }
0xb: {  	s15 =	sadd.s32 s29, s14;
	[dreg:$0x4] =	wrdreg s13  }
0xc: {  	s17 =	sadd.s32 $0x1380, s30;
	s16 =	sadd.s32 s31, s5;
	[dreg:$0x6] =	wrdreg s15  }
0xd: {  	s18 =	sadd.s32 s29, s17;
	[dreg:$0x7] =	wrdreg s16  }
0xe: {  	s20 =	sadd.s32 $0x1A00, s30;
	s19 =	sadd.s32 s31, s14;
	[dreg:$0x8] =	wrdreg s18  }
0xf: {  	s4 =	simm.s32 $0x7A1400;
	s21 =	sadd.s32 s29, s20;
	[dreg:$0x9] =	wrdreg s19  }
0x10: {  	s3 =	simm.s32 $0x3400;
	s5 =	sadd.s32 s31, s17;
	[dreg:$0xa] =	wrdreg s21  }
0x11: {  	[tilespmem:s2], [sflag:$0x1] =	stream.strided.gather [hbm4b:s6+s3], $0xD000, s4, s3, $0x38;
	[tilespmem:$0x1A000] =	vst v63  }
0x12: {  	[dreg:$0xb] =	wrdreg s5  }
0x13: {  	s5 =	simm.s32 $0xD000;
	s6 =	simm.s32 $0x1;
	s7 =	rddreg [dreg:$0x4]  }
0x14: {  	[tilespmem:s5], [sflag:$0x2] =	stream.strided.gather [hbm4b:s7+s3], $0xD000, s4, s3, $0x38;
	[tilespmem:$0x1A000] =	vst v63  }
0x15: {  	_ =	swait.ge [sflag:s6], $0xD000  }
0x16: {  	[sflag:s6] =	ssyncset.done $0x0  }
0x17: {  	s7 =	simm.s32 $0x3;
	s8 =	rddreg [dreg:$0x5];
	[sflag:s6] =	ssyncadd.s32 $0xFFFF3000  }
0x18: {  	[hbm4b:s8+s3] =	stream.strided.scatter [tilespmem:s2], [sflag:$0x3], $0xD000, s4, s3, $0x38;
	[tilespmem:$0x1A000] =	vst v63  }
0x19: {  	_ =	swait.ge [sflag:s7], $0xD000  }
0x1a: {  	[sflag:s7] =	ssyncset.done $0x0  }
0x1b: {  	s8 =	simm.s32 $0x2;
	s9 =	rddreg [dreg:$0x6];
	[sflag:s7] =	ssyncadd.s32 $0xFFFF3000  }
0x1c: {  	[tilespmem:s2], [sflag:$0x1] =	stream.strided.gather [hbm4b:s9+s3], $0xD000, s4, s3, $0x38;
	[tilespmem:$0x1A000] =	vst v63  }
0x1d: {  	_ =	swait.ge [sflag:s8], $0xD000  }
0x1e: {  	[sflag:s8] =	ssyncset.done $0x0  }
0x1f: {  	s9 =	simm.s32 $0x4;
	s10 =	rddreg [dreg:$0x7];
	[sflag:s8] =	ssyncadd.s32 $0xFFFF3000  }
0x20: {  	[hbm4b:s10+s3] =	stream.strided.scatter [tilespmem:s5], [sflag:$0x4], $0xD000, s4, s3, $0x38;
	[tilespmem:$0x1A000] =	vst v63  }
0x21: {  	_ =	swait.ge [sflag:s9], $0xD000  }
0x22: {  	[sflag:s9] =	ssyncset.done $0x0  }
0x23: {  	s22 =	rddreg [dreg:$0x8];
	[sflag:s9] =	ssyncadd.s32 $0xFFFF3000  }
0x24: {  	[tilespmem:s5], [sflag:$0x2] =	stream.strided.gather [hbm4b:s22+s3], $0xD000, s4, s3, $0x38;
	[tilespmem:$0x1A000] =	vst v63  }
0x25: {  	_ =	swait.ge [sflag:s6], $0xD000  }
0x26: {  	[sflag:s6] =	ssyncset.done $0x0  }
0x27: {  	s23 =	rddreg [dreg:$0x9];
	[sflag:s6] =	ssyncadd.s32 $0xFFFF3000  }
0x28: {  	[hbm4b:s23+s3] =	stream.strided.scatter [tilespmem:s2], [sflag:$0x3], $0xD000, s4, s3, $0x38;
	[tilespmem:$0x1A000] =	vst v63  }
0x29: {  	_ =	swait.ge [sflag:s7], $0xD000  }
0x2a: {  	[sflag:s7] =	ssyncset.done $0x0  }
0x2b: {  	s24 =	rddreg [dreg:$0xa];
	[sflag:s7] =	ssyncadd.s32 $0xFFFF3000  }
0x2c: {  	[tilespmem:s2], [sflag:$0x1] =	stream.strided.gather [hbm4b:s24+s3], $0xD000, s4, s3, $0x38;
	[tilespmem:$0x1A000] =	vst v63  }
0x2d: {  	_ =	swait.ge [sflag:s8], $0xD000  }
0x2e: {  	[sflag:s8] =	ssyncset.done $0x0  }
0x2f: {  	s25 =	rddreg [dreg:$0xb];
	[sflag:s8] =	ssyncadd.s32 $0xFFFF3000  }
0x30: {  	[hbm4b:s25+s3] =	stream.strided.scatter [tilespmem:s5], [sflag:$0x4], $0xD000, s4, s3, $0x38;
	[tilespmem:$0x1A000] =	vst v63  }
0x31: {  	s13 =	sadd.s32 $0x2080, s30;
	_ =	swait.ge [sflag:s9], $0xD000  }
0x32: {  	s26 =	sadd.s32 s29, s13;
	[sflag:s9] =	ssyncset.done $0x0  }
0x33: {  	[dreg:$0xc] =	wrdreg s26;
	[sflag:s9] =	ssyncadd.s32 $0xFFFF3000  }
0x34: {  	[tilespmem:s5], [sflag:$0x2] =	stream.strided.gather [hbm4b:s26+s3], $0xD000, s4, s3, $0x38;
	[tilespmem:$0x1A000] =	vst v63  }
0x35: {  	_ =	swait.ge [sflag:s6], $0xD000  }
0x36: {  	[sflag:s6] =	ssyncset.done $0x0  }
0x37: {  	s0 =	sadd.s32 s31, s20;
	[sflag:s6] =	ssyncadd.s32 $0xFFFF3000  }
0x38: {  	[hbm4b:s0+s3] =	stream.strided.scatter [tilespmem:s2], [sflag:$0x3], $0xD000, s4, s3, $0x38;
	[tilespmem:$0x1A000] =	vst v63  }
0x39: {  	_ =	swait.ge [sflag:s7], $0xD000  }
0x3a: {  	s15 =	sadd.s32 $0x2700, s30;
	[sflag:s7] =	ssyncset.done $0x0  }
0x3b: {  	s12 =	sadd.s32 s29, s15;
	[sflag:s7] =	ssyncadd.s32 $0xFFFF3000  }
0x3c: {  	[tilespmem:s2], [sflag:$0x1] =	stream.strided.gather [hbm4b:s12+s3], $0xD000, s4, s3, $0x38;
	[tilespmem:$0x1A000] =	vst v63  }
0x3d: {  	_ =	swait.ge [sflag:s8], $0xD000  }
0x3e: {  	[sflag:s8] =	ssyncset.done $0x0  }
0x3f: {  	s13 =	sadd.s32 s31, s13;
	[sflag:s8] =	ssyncadd.s32 $0xFFFF3000  }
0x40: {  	[hbm4b:s13+s3] =	stream.strided.scatter [tilespmem:s5], [sflag:$0x4], $0xD000, s4, s3, $0x38;
	[tilespmem:$0x1A000] =	vst v63  }
0x41: {  	_ =	swait.ge [sflag:s9], $0xD000  }
0x42: {  	s17 =	sadd.s32 $0x2D80, s30;
	[sflag:s9] =	ssyncset.done $0x0  }
0x43: {  	s14 =	sadd.s32 s29, s17;
	[sflag:s9] =	ssyncadd.s32 $0xFFFF3000  }
0x44: {  	[tilespmem:s5], [sflag:$0x2] =	stream.strided.gather [hbm4b:s14+s3], $0xD000, s4, s3, $0x38;
	[tilespmem:$0x1A000] =	vst v63  }
0x45: {  	_ =	swait.ge [sflag:s6], $0xD000  }
0x46: {  	[sflag:s6] =	ssyncset.done $0x0  }
0x47: {  	s15 =	sadd.s32 s31, s15;
	[sflag:s6] =	ssyncadd.s32 $0xFFFF3000  }
0x48: {  	[hbm4b:s15+s3] =	stream.strided.scatter [tilespmem:s2], [sflag:$0x3], $0xD000, s4, s3, $0x38;
	[tilespmem:$0x1A000] =	vst v63  }
0x49: {  	_ =	swait.ge [sflag:s7], $0xD000  }
0x4a: {  	s19 =	sadd.s32 $0x3400, s30;
	[sflag:s7] =	ssyncset.done $0x0  }
0x4b: {  	s16 =	sadd.s32 s29, s19;
	[sflag:s7] =	ssyncadd.s32 $0xFFFF3000  }
0x4c: {  	[tilespmem:s2], [sflag:$0x1] =	stream.strided.gather [hbm4b:s16+s3], $0xD000, s4, s3, $0x38;
	[tilespmem:$0x1A000] =	vst v63  }
0x4d: {  	_ =	swait.ge [sflag:s8], $0xD000  }
0x4e: {  	[sflag:s8] =	ssyncset.done $0x0  }
0x4f: {  	s17 =	sadd.s32 s31, s17;
	[sflag:s8] =	ssyncadd.s32 $0xFFFF3000  }
0x50: {  	[hbm4b:s17+s3] =	stream.strided.scatter [tilespmem:s5], [sflag:$0x4], $0xD000, s4, s3, $0x38;
	[tilespmem:$0x1A000] =	vst v63  }
0x51: {  	_ =	swait.ge [sflag:s9], $0xD000  }
0x52: {  	s21 =	sadd.s32 $0x3A80, s30;
	[sflag:s9] =	ssyncset.done $0x0  }
0x53: {  	s18 =	sadd.s32 s29, s21;
	[sflag:s9] =	ssyncadd.s32 $0xFFFF3000  }
0x54: {  	[tilespmem:s5], [sflag:$0x2] =	stream.strided.gather [hbm4b:s18+s3], $0xD000, s4, s3, $0x38;
	[tilespmem:$0x1A000] =	vst v63  }
0x55: {  	_ =	swait.ge [sflag:s6], $0xD000  }
0x56: {  	[sflag:s6] =	ssyncset.done $0x0  }
0x57: {  	s19 =	sadd.s32 s31, s19;
	[sflag:s6] =	ssyncadd.s32 $0xFFFF3000  }
0x58: {  	[hbm4b:s19+s3] =	stream.strided.scatter [tilespmem:s2], [sflag:$0x3], $0xD000, s4, s3, $0x38;
	[tilespmem:$0x1A000] =	vst v63  }
0x59: {  	_ =	swait.ge [sflag:s7], $0xD000  }
0x5a: {  	s23 =	sadd.s32 $0x4100, s30;
	[sflag:s7] =	ssyncset.done $0x0  }
0x5b: {  	s20 =	sadd.s32 s29, s23;
	[sflag:s7] =	ssyncadd.s32 $0xFFFF3000  }
0x5c: {  	[tilespmem:s2], [sflag:$0x1] =	stream.strided.gather [hbm4b:s20+s3], $0xD000, s4, s3, $0x38;
	[tilespmem:$0x1A000] =	vst v63  }
0x5d: {  	_ =	swait.ge [sflag:s8], $0xD000  }
0x5e: {  	[sflag:s8] =	ssyncset.done $0x0  }
0x5f: {  	s21 =	sadd.s32 s31, s21;
	[sflag:s8] =	ssyncadd.s32 $0xFFFF3000  }
0x60: {  	[hbm4b:s21+s3] =	stream.strided.scatter [tilespmem:s5], [sflag:$0x4], $0xD000, s4, s3, $0x38;
	[tilespmem:$0x1A000] =	vst v63  }
0x61: {  	_ =	swait.ge [sflag:s9], $0xD000  }
0x62: {  	s25 =	sadd.s32 $0x4780, s30;
	[sflag:s9] =	ssyncset.done $0x0  }
0x63: {  	s22 =	sadd.s32 s29, s25;
	[sflag:s9] =	ssyncadd.s32 $0xFFFF3000  }
0x64: {  	[tilespmem:s5], [sflag:$0x2] =	stream.strided.gather [hbm4b:s22+s3], $0xD000, s4, s3, $0x38;
	[tilespmem:$0x1A000] =	vst v63  }
0x65: {  	_ =	swait.ge [sflag:s6], $0xD000  }
0x66: {  	[sflag:s6] =	ssyncset.done $0x0  }
0x67: {  	s23 =	sadd.s32 s31, s23;
	[sflag:s6] =	ssyncadd.s32 $0xFFFF3000  }
0x68: {  	[hbm4b:s23+s3] =	stream.strided.scatter [tilespmem:s2], [sflag:$0x3], $0xD000, s4, s3, $0x38;
	[tilespmem:$0x1A000] =	vst v63  }
0x69: {  	_ =	swait.ge [sflag:s7], $0xD000  }
0x6a: {  	s28 =	sadd.s32 $0x4E00, s30;
	[sflag:s7] =	ssyncset.done $0x0  }
0x6b: {  	s24 =	sadd.s32 s29, s28;
	[sflag:s7] =	ssyncadd.s32 $0xFFFF3000  }
0x6c: {  	[tilespmem:s2], [sflag:$0x1] =	stream.strided.gather [hbm4b:s24+s3], $0xD000, s4, s3, $0x38;
	[tilespmem:$0x1A000] =	vst v63  }
0x6d: {  	_ =	swait.ge [sflag:s8], $0xD000  }
0x6e: {  	[sflag:s8] =	ssyncset.done $0x0  }
0x6f: {  	s25 =	sadd.s32 s31, s25;
	[sflag:s8] =	ssyncadd.s32 $0xFFFF3000  }
0x70: {  	[hbm4b:s25+s3] =	stream.strided.scatter [tilespmem:s5], [sflag:$0x4], $0xD000, s4, s3, $0x38;
	[tilespmem:$0x1A000] =	vst v63  }
0x71: {  	_ =	swait.ge [sflag:s9], $0xD000  }
0x72: {  	s11 =	smov.u32 s0;
	s0 =	sadd.s32 $0x5480, s30;
	[sflag:s9] =	ssyncset.done $0x0  }
0x73: {  	s26 =	sadd.s32 s29, s0;
	[sflag:s9] =	ssyncadd.s32 $0xFFFF3000  }
0x74: {  	[tilespmem:s5], [sflag:$0x2] =	stream.strided.gather [hbm4b:s26+s3], $0xD000, s4, s3, $0x38;
	[tilespmem:$0x1A000] =	vst v63  }
0x75: {  	_ =	swait.ge [sflag:s6], $0xD000  }
0x76: {  	[sflag:s6] =	ssyncset.done $0x0  }
0x77: {  	s28 =	sadd.s32 s31, s28;
	[sflag:s6] =	ssyncadd.s32 $0xFFFF3000  }
0x78: {  	[hbm4b:s28+s3] =	stream.strided.scatter [tilespmem:s2], [sflag:$0x3], $0xD000, s4, s3, $0x38;
	[tilespmem:$0x1A000] =	vst v63  }
0x79: {  	_ =	swait.ge [sflag:s7], $0xD000  }
0x7a: {  	s10 =	sadd.s32 $0x5B00, s30;
	[sflag:s7] =	ssyncset.done $0x0  }
0x7b: {  	s29 =	sadd.s32 s29, s10;
	[sflag:s7] =	ssyncadd.s32 $0xFFFF3000  }
0x7c: {  	[tilespmem:s2], [sflag:$0x1] =	stream.strided.gather [hbm4b:s29+s3], $0xD000, s4, s3, $0x38;
	[tilespmem:$0x1A000] =	vst v63  }
0x7d: {  	_ =	swait.ge [sflag:s8], $0xD000  }
0x7e: {  	[sflag:s8] =	ssyncset.done $0x0  }
0x7f: {  	s30 =	sadd.s32 s31, s0;
	[sflag:s8] =	ssyncadd.s32 $0xFFFF3000  }
0x80: {  	[hbm4b:s30+s3] =	stream.strided.scatter [tilespmem:s5], [sflag:$0x4], $0xD000, s4, s3, $0x38;
	[tilespmem:$0x1A000] =	vst v63  }
0x81: {  	_ =	swait.ge [sflag:s6], $0xD000  }
0x82: {  	[sflag:s6] =	ssyncset.done $0x0;
	s1 =	rddreg [dreg:$0xd]  }
0x83: {  	s31 =	sadd.s32 s31, s10;
	s0 =	ssub.s32 $0x2, s1;
	[sflag:s6] =	ssyncadd.s32 $0xFFFF3000  }
0x84: {  	[hbm4b:s31+s3] =	stream.strided.scatter [tilespmem:s2], [sflag:$0x3], $0xD000, s4, s3, $0x38;
	[tilespmem:$0x1A000] =	vst v63  }
0x85: {  	s10 =	sshrl.u32 s0, $0x1  }
0x86: {  	s0 =	ssub.s32 s0, s10  }
0x87: {  	s0 =	smax.u32 s0, $0x1  }
0x88: {  	p0 =	sne.s32 s0, $0x1  }
.Ltmp0:
0x89: {  	_ =	swait.ge [sflag:s9], $0xD000;
	(pc) =	sbr.rel @!p0 .LBB2_2-.Ltmp0, $4  }
0x8a: {  	[sflag:s9] =	ssyncset.done $0x0  }
0x8b: {  	[sflag:s9] =	ssyncadd.s32 $0xFFFF3000  }
0x8c: {  	_ =	swait.ge [sflag:s7], $0xD000  }
0x8d: {  	s1 =	sadd.s32 $0xFFFFFFFF, s0;
	[sflag:s7] =	ssyncset.done $0x0  }
.LBB2_1:
0x8e: {  	s0 =	rddreg [dreg:$0x3];
	[sflag:s7] =	ssyncadd.s32 $0xFFFF3000  }
0x8f: {  	[tilespmem:s2], [sflag:$0x1] =	stream.strided.gather [hbm4b:s0+s3], $0xD000, s4, s3, $0x38;
	[tilespmem:$0x1A000] =	vst v63  }
0x90: {  	s10 =	rddreg [dreg:$0x4]  }
0x91: {  	[tilespmem:s5], [sflag:$0x2] =	stream.strided.gather [hbm4b:s10+s3], $0xD000, s4, s3, $0x38;
	[tilespmem:$0x1A000] =	vst v63  }
0x92: {  	_ =	swait.ge [sflag:s6], $0xD000  }
0x93: {  	[sflag:s6] =	ssyncset.done $0x0  }
0x94: {  	s10 =	rddreg [dreg:$0x5];
	[sflag:s6] =	ssyncadd.s32 $0xFFFF3000  }
0x95: {  	[hbm4b:s10+s3] =	stream.strided.scatter [tilespmem:s2], [sflag:$0x3], $0xD000, s4, s3, $0x38;
	[tilespmem:$0x1A000] =	vst v63  }
0x96: {  	_ =	swait.ge [sflag:s7], $0xD000  }
0x97: {  	[sflag:s7] =	ssyncset.done $0x0  }
0x98: {  	s10 =	rddreg [dreg:$0x6];
	[sflag:s7] =	ssyncadd.s32 $0xFFFF3000  }
0x99: {  	[tilespmem:s2], [sflag:$0x1] =	stream.strided.gather [hbm4b:s10+s3], $0xD000, s4, s3, $0x38;
	[tilespmem:$0x1A000] =	vst v63  }
0x9a: {  	_ =	swait.ge [sflag:s8], $0xD000  }
0x9b: {  	[sflag:s8] =	ssyncset.done $0x0  }
0x9c: {  	s10 =	rddreg [dreg:$0x7];
	[sflag:s8] =	ssyncadd.s32 $0xFFFF3000  }
0x9d: {  	[hbm4b:s10+s3] =	stream.strided.scatter [tilespmem:s5], [sflag:$0x4], $0xD000, s4, s3, $0x38;
	[tilespmem:$0x1A000] =	vst v63  }
0x9e: {  	_ =	swait.ge [sflag:s9], $0xD000  }
0x9f: {  	[sflag:s9] =	ssyncset.done $0x0  }
0xa0: {  	s10 =	rddreg [dreg:$0x8];
	[sflag:s9] =	ssyncadd.s32 $0xFFFF3000  }
0xa1: {  	[tilespmem:s5], [sflag:$0x2] =	stream.strided.gather [hbm4b:s10+s3], $0xD000, s4, s3, $0x38;
	[tilespmem:$0x1A000] =	vst v63  }
0xa2: {  	_ =	swait.ge [sflag:s6], $0xD000  }
0xa3: {  	[sflag:s6] =	ssyncset.done $0x0  }
0xa4: {  	s10 =	rddreg [dreg:$0x9];
	[sflag:s6] =	ssyncadd.s32 $0xFFFF3000  }
0xa5: {  	[hbm4b:s10+s3] =	stream.strided.scatter [tilespmem:s2], [sflag:$0x3], $0xD000, s4, s3, $0x38;
	[tilespmem:$0x1A000] =	vst v63  }
0xa6: {  	_ =	swait.ge [sflag:s7], $0xD000  }
0xa7: {  	[sflag:s7] =	ssyncset.done $0x0  }
0xa8: {  	s10 =	rddreg [dreg:$0xa];
	[sflag:s7] =	ssyncadd.s32 $0xFFFF3000  }
0xa9: {  	[tilespmem:s2], [sflag:$0x1] =	stream.strided.gather [hbm4b:s10+s3], $0xD000, s4, s3, $0x38;
	[tilespmem:$0x1A000] =	vst v63  }
0xaa: {  	_ =	swait.ge [sflag:s8], $0xD000  }
0xab: {  	[sflag:s8] =	ssyncset.done $0x0  }
0xac: {  	s10 =	rddreg [dreg:$0xb];
	[sflag:s8] =	ssyncadd.s32 $0xFFFF3000  }
0xad: {  	[hbm4b:s10+s3] =	stream.strided.scatter [tilespmem:s5], [sflag:$0x4], $0xD000, s4, s3, $0x38;
	[tilespmem:$0x1A000] =	vst v63  }
0xae: {  	_ =	swait.ge [sflag:s9], $0xD000  }
0xaf: {  	[sflag:s9] =	ssyncset.done $0x0  }
0xb0: {  	s10 =	rddreg [dreg:$0xc];
	[sflag:s9] =	ssyncadd.s32 $0xFFFF3000  }
0xb1: {  	[tilespmem:s5], [sflag:$0x2] =	stream.strided.gather [hbm4b:s10+s3], $0xD000, s4, s3, $0x38;
	[tilespmem:$0x1A000] =	vst v63  }
0xb2: {  	_ =	swait.ge [sflag:s6], $0xD000  }
0xb3: {  	[sflag:s6] =	ssyncset.done $0x0  }
0xb4: {  	[sflag:s6] =	ssyncadd.s32 $0xFFFF3000  }
0xb5: {  	[hbm4b:s11+s3] =	stream.strided.scatter [tilespmem:s2], [sflag:$0x3], $0xD000, s4, s3, $0x38;
	[tilespmem:$0x1A000] =	vst v63  }
0xb6: {  	_ =	swait.ge [sflag:s7], $0xD000  }
0xb7: {  	[sflag:s7] =	ssyncset.done $0x0  }
0xb8: {  	[sflag:s7] =	ssyncadd.s32 $0xFFFF3000  }
0xb9: {  	[tilespmem:s2], [sflag:$0x1] =	stream.strided.gather [hbm4b:s12+s3], $0xD000, s4, s3, $0x38;
	[tilespmem:$0x1A000] =	vst v63  }
0xba: {  	_ =	swait.ge [sflag:s8], $0xD000  }
0xbb: {  	[sflag:s8] =	ssyncset.done $0x0  }
0xbc: {  	[sflag:s8] =	ssyncadd.s32 $0xFFFF3000  }
0xbd: {  	[hbm4b:s13+s3] =	stream.strided.scatter [tilespmem:s5], [sflag:$0x4], $0xD000, s4, s3, $0x38;
	[tilespmem:$0x1A000] =	vst v63  }
0xbe: {  	_ =	swait.ge [sflag:s9], $0xD000  }
0xbf: {  	[sflag:s9] =	ssyncset.done $0x0  }
0xc0: {  	[sflag:s9] =	ssyncadd.s32 $0xFFFF3000  }
0xc1: {  	[tilespmem:s5], [sflag:$0x2] =	stream.strided.gather [hbm4b:s14+s3], $0xD000, s4, s3, $0x38;
	[tilespmem:$0x1A000] =	vst v63  }
0xc2: {  	_ =	swait.ge [sflag:s6], $0xD000  }
0xc3: {  	[sflag:s6] =	ssyncset.done $0x0  }
0xc4: {  	[sflag:s6] =	ssyncadd.s32 $0xFFFF3000  }
0xc5: {  	[hbm4b:s15+s3] =	stream.strided.scatter [tilespmem:s2], [sflag:$0x3], $0xD000, s4, s3, $0x38;
	[tilespmem:$0x1A000] =	vst v63  }
0xc6: {  	_ =	swait.ge [sflag:s7], $0xD000  }
0xc7: {  	[sflag:s7] =	ssyncset.done $0x0  }
0xc8: {  	[sflag:s7] =	ssyncadd.s32 $0xFFFF3000  }
0xc9: {  	[tilespmem:s2], [sflag:$0x1] =	stream.strided.gather [hbm4b:s16+s3], $0xD000, s4, s3, $0x38;
	[tilespmem:$0x1A000] =	vst v63  }
0xca: {  	_ =	swait.ge [sflag:s8], $0xD000  }
0xcb: {  	[sflag:s8] =	ssyncset.done $0x0  }
0xcc: {  	[sflag:s8] =	ssyncadd.s32 $0xFFFF3000  }
0xcd: {  	[hbm4b:s17+s3] =	stream.strided.scatter [tilespmem:s5], [sflag:$0x4], $0xD000, s4, s3, $0x38;
	[tilespmem:$0x1A000] =	vst v63  }
0xce: {  	_ =	swait.ge [sflag:s9], $0xD000  }
0xcf: {  	[sflag:s9] =	ssyncset.done $0x0  }
0xd0: {  	[sflag:s9] =	ssyncadd.s32 $0xFFFF3000  }
0xd1: {  	[tilespmem:s5], [sflag:$0x2] =	stream.strided.gather [hbm4b:s18+s3], $0xD000, s4, s3, $0x38;
	[tilespmem:$0x1A000] =	vst v63  }
0xd2: {  	_ =	swait.ge [sflag:s6], $0xD000  }
0xd3: {  	[sflag:s6] =	ssyncset.done $0x0  }
0xd4: {  	[sflag:s6] =	ssyncadd.s32 $0xFFFF3000  }
0xd5: {  	[hbm4b:s19+s3] =	stream.strided.scatter [tilespmem:s2], [sflag:$0x3], $0xD000, s4, s3, $0x38;
	[tilespmem:$0x1A000] =	vst v63  }
0xd6: {  	_ =	swait.ge [sflag:s7], $0xD000  }
0xd7: {  	[sflag:s7] =	ssyncset.done $0x0  }
0xd8: {  	[sflag:s7] =	ssyncadd.s32 $0xFFFF3000  }
0xd9: {  	[tilespmem:s2], [sflag:$0x1] =	stream.strided.gather [hbm4b:s20+s3], $0xD000, s4, s3, $0x38;
	[tilespmem:$0x1A000] =	vst v63  }
0xda: {  	_ =	swait.ge [sflag:s8], $0xD000  }
0xdb: {  	[sflag:s8] =	ssyncset.done $0x0  }
0xdc: {  	[sflag:s8] =	ssyncadd.s32 $0xFFFF3000  }
0xdd: {  	[hbm4b:s21+s3] =	stream.strided.scatter [tilespmem:s5], [sflag:$0x4], $0xD000, s4, s3, $0x38;
	[tilespmem:$0x1A000] =	vst v63  }
0xde: {  	_ =	swait.ge [sflag:s9], $0xD000  }
0xdf: {  	[sflag:s9] =	ssyncset.done $0x0  }
0xe0: {  	[sflag:s9] =	ssyncadd.s32 $0xFFFF3000  }
0xe1: {  	[tilespmem:s5], [sflag:$0x2] =	stream.strided.gather [hbm4b:s22+s3], $0xD000, s4, s3, $0x38;
	[tilespmem:$0x1A000] =	vst v63  }
0xe2: {  	_ =	swait.ge [sflag:s6], $0xD000  }
0xe3: {  	[sflag:s6] =	ssyncset.done $0x0  }
0xe4: {  	[sflag:s6] =	ssyncadd.s32 $0xFFFF3000  }
0xe5: {  	[hbm4b:s23+s3] =	stream.strided.scatter [tilespmem:s2], [sflag:$0x3], $0xD000, s4, s3, $0x38;
	[tilespmem:$0x1A000] =	vst v63  }
0xe6: {  	_ =	swait.ge [sflag:s7], $0xD000  }
0xe7: {  	[sflag:s7] =	ssyncset.done $0x0  }
0xe8: {  	[sflag:s7] =	ssyncadd.s32 $0xFFFF3000  }
0xe9: {  	[tilespmem:s2], [sflag:$0x1] =	stream.strided.gather [hbm4b:s24+s3], $0xD000, s4, s3, $0x38;
	[tilespmem:$0x1A000] =	vst v63  }
0xea: {  	_ =	swait.ge [sflag:s8], $0xD000  }
0xeb: {  	[sflag:s8] =	ssyncset.done $0x0  }
0xec: {  	[sflag:s8] =	ssyncadd.s32 $0xFFFF3000  }
0xed: {  	[hbm4b:s25+s3] =	stream.strided.scatter [tilespmem:s5], [sflag:$0x4], $0xD000, s4, s3, $0x38;
	[tilespmem:$0x1A000] =	vst v63  }
0xee: {  	_ =	swait.ge [sflag:s9], $0xD000  }
0xef: {  	[sflag:s9] =	ssyncset.done $0x0  }
0xf0: {  	[sflag:s9] =	ssyncadd.s32 $0xFFFF3000  }
0xf1: {  	[tilespmem:s5], [sflag:$0x2] =	stream.strided.gather [hbm4b:s26+s3], $0xD000, s4, s3, $0x38;
	[tilespmem:$0x1A000] =	vst v63  }
0xf2: {  	_ =	swait.ge [sflag:s6], $0xD000  }
0xf3: {  	[sflag:s6] =	ssyncset.done $0x0  }
0xf4: {  	[sflag:s6] =	ssyncadd.s32 $0xFFFF3000  }
0xf5: {  	[hbm4b:s28+s3] =	stream.strided.scatter [tilespmem:s2], [sflag:$0x3], $0xD000, s4, s3, $0x38;
	[tilespmem:$0x1A000] =	vst v63  }
0xf6: {  	_ =	swait.ge [sflag:s7], $0xD000  }
0xf7: {  	[sflag:s7] =	ssyncset.done $0x0  }
0xf8: {  	[sflag:s7] =	ssyncadd.s32 $0xFFFF3000  }
0xf9: {  	[tilespmem:s2], [sflag:$0x1] =	stream.strided.gather [hbm4b:s29+s3], $0xD000, s4, s3, $0x38;
	[tilespmem:$0x1A000] =	vst v63  }
0xfa: {  	_ =	swait.ge [sflag:s8], $0xD000  }
0xfb: {  	[sflag:s8] =	ssyncset.done $0x0  }
0xfc: {  	[sflag:s8] =	ssyncadd.s32 $0xFFFF3000  }
0xfd: {  	[hbm4b:s30+s3] =	stream.strided.scatter [tilespmem:s5], [sflag:$0x4], $0xD000, s4, s3, $0x38;
	[tilespmem:$0x1A000] =	vst v63  }
0xfe: {  	_ =	swait.ge [sflag:s6], $0xD000  }
0xff: {  	[sflag:s6] =	ssyncset.done $0x0  }
0x100: {  	p0 =	sne.s32 s1, $0x1;
	[sflag:s6] =	ssyncadd.s32 $0xFFFF3000  }
0x101: {  	[hbm4b:s31+s3] =	stream.strided.scatter [tilespmem:s2], [sflag:$0x3], $0xD000, s4, s3, $0x38;
	[tilespmem:$0x1A000] =	vst v63  }
.Ltmp1:
0x102: {  	_ =	swait.ge [sflag:s9], $0xD000;
	(pc) =	sbr.rel @p0 .LBB2_1-.Ltmp1, $4  }
0x103: {  	[sflag:s9] =	ssyncset.done $0x0  }
0x104: {  	[sflag:s9] =	ssyncadd.s32 $0xFFFF3000  }
0x105: {  	_ =	swait.ge [sflag:s7], $0xD000  }
0x106: {  	s1 =	sadd.s32 $0xFFFFFFFF, s1;
	[sflag:s7] =	ssyncset.done $0x0  }
.LBB2_2:
0x107: {  	[sflag:s7] =	ssyncadd.s32 $0xFFFF3000  }
0x108: {  	_ =	sfence.sel $0x180000  }
0x109: {  	[bflag:$0x0] =	sbarrier.arrive $0xFFFF  }
0x10a: {  	_ =	strace $0x90000047  }
0x10b: {  	s0 =	stileid.u32;
	[bflag:$0x2] =	sbarrier.arrive $0xFFFF  }
0x10c: {  	p0 =	sne.s32 s0, $0x0;
	s0 =	rddreg [dreg:$0x2]  }
0x10d: {  	s0 =	sadd.s32 @!p0 $0x100000, s0  }
0x10e: {  	[sflag:s0] =	ssyncadd.tile.s32 @!p0 $0x1;
	_ =	shalt  }
.Lfunc_end2:
_tile_overlayer_lowered:
.L_overlay_start_2:
0x10f: {  	(tag) =	ssettag $0x2  }
0x110: {  	s0 =	rddreg [dreg:$0x0];
	s2 =	stileid.u32  }
0x111: {  	s1 =	rddreg [dreg:$0x1];
	p0 =	sne.s32 s2, $0x0  }
0x112: {  	s3 =	rddreg [dreg:$0x2];
	[bflag:$0x3] =	sbarrier.arrive $0xFFFF;
	s2 =	simm.s32 @!p0 $0x1C05  }
0x113: {  	[timem:s3], [sflag:s2] =	dma.local @!p0 [hbm:s0], s1  }
0x114: {  	s0 =	simm.s32 @!p0 $0x5  }
0x115: {  	_ =	swait.ge @!p0 [sflag:s0], s1  }
0x116: {  	s1 =	ssub.s32 @!p0 $0x0, s1;
	[sflag:s0] =	ssyncset.done @!p0 $0x0  }
0x117: {  	[sflag:s0] =	ssyncadd.s32 @!p0 s1  }
0x118: {  	[bflag:$0x3] =	sbarrier.arrive $0xFFFF  }
0x119: {  	_ =	shalt  }

</sc_bundles>
